<compile_context>
chip_gen: v7x
topology: tpu7x:2x2x1
jax: 0.10.2.dev20260603
libtpu: 0.0.44.dev20260713+nightly
codegen_flags: <defaults>
</compile_context>

<pallas_src>
import functools

import jax
import jax.numpy as jnp
from jax import lax
from jax.experimental import pallas as pl
from jax.experimental.pallas import tpu as pltpu
from jax.experimental.pallas import tpu_sc as plsc

NUM_TYPES = 8
DATA_SIZE = 10000
IN_DIM = 256
DIM = 128
BATCH = 16384

NUM_WORKERS = 32
PER_WORKER = BATCH // NUM_WORKERS
CHUNK = 128
NUM_CHUNKS = PER_WORKER // CHUNK

TC_BLOCK = 4096
NUM_TC_BLOCKS = BATCH // TC_BLOCK


def _sc_gather(codes, indices, tables_flat, lookup_table, n, base_off):
    mesh = plsc.VectorSubcoreMesh(core_axis_name="c", subcore_axis_name="s")
    per_worker = n // NUM_WORKERS
    num_chunks = per_worker // CHUNK

    @functools.partial(
        pl.kernel,
        out_type=(
            jax.ShapeDtypeStruct((n, IN_DIM), jnp.float32),
            jax.ShapeDtypeStruct((n, DIM), jnp.float32),
            jax.ShapeDtypeStruct((n,), jnp.int32),
        ),
        mesh=mesh,
        scratch_types=[
            pltpu.VMEM((per_worker,), jnp.int32),
            pltpu.VMEM((per_worker,), jnp.int32),
            pltpu.VMEM((per_worker,), jnp.int32),
            pltpu.VMEM((CHUNK, IN_DIM), jnp.float32),
            pltpu.VMEM((CHUNK, IN_DIM), jnp.float32),
            pltpu.VMEM((CHUNK, DIM), jnp.float32),
            pltpu.VMEM((CHUNK, DIM), jnp.float32),
            pltpu.SemaphoreType.DMA,
            pltpu.SemaphoreType.DMA,
            pltpu.SemaphoreType.DMA,
            pltpu.SemaphoreType.DMA,
            pltpu.SemaphoreType.DMA,
        ],
    )
    def sc_kernel(codes_hbm, idx_hbm, tab_hbm, lut_hbm,
                  emb_out, lb_out, code_out,
                  idx_v, c_v, row_v, emb_v0, emb_v1, lb_v0, lb_v1,
                  csem, gsem_e, gsem_l, wsem_e, wsem_l):
        wid = lax.axis_index("s") * 2 + lax.axis_index("c")
        base = wid * per_worker
        gbase = base_off + base
        pltpu.sync_copy(idx_hbm.at[pl.ds(gbase, per_worker)], idx_v)
        code_gets = [
            pltpu.async_copy(
                codes_hbm.at[idx_v.at[pl.ds(k * CHUNK, CHUNK)]],
                c_v.at[pl.ds(k * CHUNK, CHUNK)], csem)
            for k in range(num_chunks)
        ]
        for cg in code_gets:
            cg.wait()

        @pl.loop(0, per_worker, step=16)
        def _(i):
            c = c_v[pl.ds(i, 16)]
            pos = lax.iota(jnp.int32, 16) + (gbase + i)
            row_v[pl.ds(i, 16)] = jnp.where(c >= 0, c, pos)

        code_put = pltpu.async_copy(c_v, code_out.at[pl.ds(base, per_worker)],
                                    csem)

        emb_bufs = (emb_v0, emb_v1)
        lb_bufs = (lb_v0, lb_v1)

        def fire(k):
            e, l = emb_bufs[k % 2], lb_bufs[k % 2]
            ge = pltpu.async_copy(
                tab_hbm.at[row_v.at[pl.ds(k * CHUNK, CHUNK)]], e, gsem_e)
            gl = pltpu.async_copy(
                lut_hbm.at[idx_v.at[pl.ds(k * CHUNK, CHUNK)]], l, gsem_l)
            return ge, gl

        pend = fire(0)
        writes = [None] * num_chunks
        for k in range(num_chunks):
            if k >= 1:
                writes[k - 1][0].wait()
                writes[k - 1][1].wait()
            nxt = fire(k + 1) if k + 1 < num_chunks else None
            pend[0].wait()
            pend[1].wait()
            e, l = emb_bufs[k % 2], lb_bufs[k % 2]
            off = base + k * CHUNK
            writes[k] = (
                pltpu.async_copy(e, emb_out.at[pl.ds(off, CHUNK)], wsem_e),
                pltpu.async_copy(l, lb_out.at[pl.ds(off, CHUNK)], wsem_l),
            )
            pend = nxt
        writes[-1][0].wait()
        writes[-1][1].wait()
        code_put.wait()

    return sc_kernel(codes, indices, tables_flat, lookup_table)


def _tc_combine(codes_b, emb, lb, W, b, n, block_off, prev=None):
    num_blocks = n // TC_BLOCK
    def body(c_ref, emb_ref, lb_ref, w_ref, b_ref, o_ref):
        crow = c_ref[0]
        srow = jnp.where(crow >= 0, crow // DATA_SIZE, NUM_TYPES)
        scol = srow.reshape(TC_BLOCK, 1).astype(jnp.int16)
        sfull = scol + jnp.zeros((TC_BLOCK, DIM), jnp.int16)
        emb16 = emb_ref[...].astype(jnp.bfloat16)
        acc = lb_ref[...].astype(jnp.bfloat16)
        for tt in range(NUM_TYPES):
            prod = jnp.dot(emb16, w_ref[tt].astype(jnp.bfloat16),
                           preferred_element_type=jnp.float32)
            prod16 = prod.astype(jnp.bfloat16) + b_ref[tt].astype(jnp.bfloat16)[None, :]
            acc = jnp.where(sfull == jnp.int16(tt), prod16, acc)
        o_ref[...] = acc.astype(jnp.float32)

    in_specs = [
        pl.BlockSpec((1, 1, TC_BLOCK), lambda i: (i, 0, 0)),
        pl.BlockSpec((TC_BLOCK, IN_DIM), lambda i: (i, 0)),
        pl.BlockSpec((TC_BLOCK, DIM), lambda i: (i, 0)),
        pl.BlockSpec((NUM_TYPES, IN_DIM, DIM), lambda i: (0, 0, 0)),
        pl.BlockSpec((NUM_TYPES, DIM), lambda i: (0, 0)),
    ]
    args = [codes_b, emb, lb, W, b]
    aliases = {}
    if prev is not None:
        def body_alias(c_ref, emb_ref, lb_ref, w_ref, b_ref, prev_ref, o_ref):
            body(c_ref, emb_ref, lb_ref, w_ref, b_ref, o_ref)
        fn = body_alias
        in_specs = in_specs + [pl.BlockSpec(memory_space=pl.ANY)]
        args = args + [prev]
        aliases = {5: 0}
    else:
        fn = body
    return pl.pallas_call(
        fn,
        grid=(num_blocks,),
        in_specs=in_specs,
        out_specs=pl.BlockSpec((TC_BLOCK, DIM),
                               lambda i: (i + block_off, 0)),
        out_shape=jax.ShapeDtypeStruct((BATCH, DIM), jnp.float32),
        input_output_aliases=aliases,
        compiler_params=pltpu.CompilerParams(
            dimension_semantics=("arbitrary",),
        ),
    )(*args)


def kernel(indices, entity_types, entity_data_idx, tables, W, b, lookup_table):
    indices = indices.astype(jnp.int32)
    entity_types = entity_types.astype(jnp.int32)
    entity_data_idx = entity_data_idx.astype(jnp.int32)
    codes = jnp.where(entity_types < NUM_TYPES,
                      entity_types * DATA_SIZE + entity_data_idx,
                      -1).astype(jnp.int32)
    tables_flat = tables.reshape(NUM_TYPES * DATA_SIZE, IN_DIM)

    num_slices = 2
    part = BATCH // num_slices
    out = None
    for h in range(num_slices):
        emb, lb, codes_b = _sc_gather(codes, indices, tables_flat,
                                      lookup_table, part, h * part)
        out = _tc_combine(codes_b.reshape(part // TC_BLOCK, 1, TC_BLOCK),
                          emb, lb, W, b, part,
                          h * (part // TC_BLOCK), prev=out)
    return out

# --- scband reference (transcript-rebuilt; emitter-appended) ---
"""Pipeline reference for scband-property-encoder-representation-50663434224017 (READ-ONLY COPY).

The authoritative reference and input builder live on the scoring server;
editing this copy changes nothing except your own understanding.
"""

import jax, jax.numpy as jnp
import numpy as np

NUM_ENTITIES = 100000
NUM_TYPES = 8          # encoder types 0..7; type 8 = unspecified (plain lookup)
DATA_SIZE = 10000      # rows per pretrained table
IN_DIM = 256           # pretrained embedding dim
DIM = 128              # output dim
BATCH = 16384


def setup_inputs(seed: int = 0) -> dict:
    key = jax.random.key(seed)
    ks = jax.random.split(key, 8)
    indices = jax.random.randint(ks[0], (BATCH,), 0, NUM_ENTITIES)
    # entity_types in [0, NUM_TYPES]; value NUM_TYPES == unspecified_type_id
    entity_types = jax.random.randint(ks[1], (NUM_ENTITIES,), 0, NUM_TYPES + 1)
    entity_data_idx = jax.random.randint(ks[2], (NUM_ENTITIES,), 0, DATA_SIZE)
    # per-type pretrained embedding tables (nn.Embedding weights, frozen or not)
    tables = jax.random.normal(ks[3], (NUM_TYPES, DATA_SIZE, IN_DIM), dtype=jnp.float32) * 0.02
    # per-type linear projections in_dim -> dim
    W = jax.random.normal(ks[4], (NUM_TYPES, IN_DIM, DIM), dtype=jnp.float32) * 0.02
    b = jnp.zeros((NUM_TYPES, DIM), dtype=jnp.float32)
    # fallback lookup table for unspecified entities (lookup_table._embeddings)
    lookup_table = jax.random.normal(ks[5], (NUM_ENTITIES, DIM), dtype=jnp.float32) * 0.02
    return {
        "indices": indices,
        "entity_types": entity_types,
        "entity_data_idx": entity_data_idx,
        "tables": tables,
        "W": W,
        "b": b,
        "lookup_table": lookup_table,
    }


def reference(indices, entity_types, entity_data_idx, tables, W, b, lookup_table):
    # PropertyEncoderRepresentation.encode_entities (training branch):
    # route each index to its type's encoder; unspecified -> plain lookup table.
    types = entity_types[indices]          # [B]  router assignment (static)
    didx = entity_data_idx[indices]        # [B]  per-entity data row
    # default: unspecified type uses the plain embedding lookup
    x = jnp.take(lookup_table, indices, axis=0)  # [B, DIM]
    for t in range(NUM_TYPES):
        mask = types == t                  # [B]
        safe_idx = jnp.where(mask, didx, 0)
        emb = jnp.take(tables[t], safe_idx, axis=0)   # embedding(indices)  [B, IN_DIM]
        out_t = emb @ W[t] + b[t]                      # linear(embs)       [B, DIM]
        x = jnp.where(mask[:, None], out_t, x)        # x[entity_type_mask] = embeddings
    return x

if __name__ == "__main__":
    import jax
    _d = setup_inputs()
    print(jax.jit(kernel)(*tuple(_d.values())))

</pallas_src>

<mosaic_0001>
#map = affine_map<(d0, d1) -> (0)>
#map1 = affine_map<(d0, d1) -> (0, 0)>
module attributes {stable_mosaic.version = 14 : i64} {
  func.func @sc_kernel(%arg0: i32, %arg1: i32, %arg2: memref<100000xi32, #tpu.memory_space<hbm>>, %arg3: memref<16384xi32, #tpu.memory_space<hbm>>, %arg4: memref<80000x256xf32, #tpu.memory_space<hbm>>, %arg5: memref<100000x128xf32, #tpu.memory_space<hbm>>, %arg6: memref<8192x256xf32, #tpu.memory_space<hbm>>, %arg7: memref<8192x128xf32, #tpu.memory_space<hbm>>, %arg8: memref<8192xi32, #tpu.memory_space<hbm>>, %arg9: memref<256xi32, #tpu.memory_space<vmem>>, %arg10: memref<256xi32, #tpu.memory_space<vmem>>, %arg11: memref<256xi32, #tpu.memory_space<vmem>>, %arg12: memref<128x256xf32, #tpu.memory_space<vmem>>, %arg13: memref<128x256xf32, #tpu.memory_space<vmem>>, %arg14: memref<128x128xf32, #tpu.memory_space<vmem>>, %arg15: memref<128x128xf32, #tpu.memory_space<vmem>>, %arg16: memref<!tpu.dma_semaphore, #tpu.memory_space<semaphore_mem>>, %arg17: memref<!tpu.dma_semaphore, #tpu.memory_space<semaphore_mem>>, %arg18: memref<!tpu.dma_semaphore, #tpu.memory_space<semaphore_mem>>, %arg19: memref<!tpu.dma_semaphore, #tpu.memory_space<semaphore_mem>>, %arg20: memref<!tpu.dma_semaphore, #tpu.memory_space<semaphore_mem>>) attributes {dimension_semantics = [#tpu.dimension_semantics<core_parallel>, #tpu.dimension_semantics<subcore_parallel>], iteration_bounds = array<i64: 2, 16>, scalar_prefetch = 0 : i64, scratch_operands = 12 : i64, tpu.core_type = #tpu.core_type<sc_vector_subcore>, window_params = [{transform_indices = #map}, {transform_indices = #map}, {transform_indices = #map1}, {transform_indices = #map1}, {transform_indices = #map1}, {transform_indices = #map1}, {transform_indices = #map}]} {
    %mul3A = arith.constant 2 : i32
    %mul3A_0 = arith.muli %arg1, %mul3A : i32
    %add3A = arith.addi %mul3A_0, %arg0 : i32
    %mul3A_1 = arith.constant 256 : i32
    %mul3A_2 = arith.muli %add3A, %mul3A_1 : i32
    %add3A_3 = arith.constant 0 : i32
    %add3A_4 = arith.addi %add3A_3, %mul3A_2 : i32
    "tpu.region"() ({
      %run_scoped3A = tpu.sem_alloc : memref<!tpu.dma_semaphore, #tpu.memory_space<semaphore_mem>>
      %dma_start3A_111 = tpu.memref_slice %arg3[%add3A_4] : memref<16384xi32, #tpu.memory_space<hbm>> -> memref<256xi32, #tpu.memory_space<hbm>>
      %dma_start3A_112 = tpu.memref_slice %arg3[%add3A_4] : memref<16384xi32, #tpu.memory_space<hbm>> -> memref<256xi32, #tpu.memory_space<hbm>>
      tpu.enqueue_dma source(%dma_start3A_112 : memref<256xi32, #tpu.memory_space<hbm>>) target(%arg9 : memref<256xi32, #tpu.memory_space<vmem>>) target_semaphore(%run_scoped3A : memref<!tpu.dma_semaphore, #tpu.memory_space<semaphore_mem>>)
      %dma_wait3A_113 = tpu.memref_slice %arg3[%add3A_4] : memref<16384xi32, #tpu.memory_space<hbm>> -> memref<256xi32, #tpu.memory_space<hbm>>
      %dma_wait3A_114 = tpu.memref_slice %arg3[%add3A_4] : memref<16384xi32, #tpu.memory_space<hbm>> -> memref<256xi32, #tpu.memory_space<hbm>>
      tpu.wait_dma2 semaphore(%run_scoped3A : memref<!tpu.dma_semaphore, #tpu.memory_space<semaphore_mem>>) src(%dma_wait3A_114 : memref<256xi32, #tpu.memory_space<hbm>>) dst(%arg9 : memref<256xi32, #tpu.memory_space<vmem>>)
      tpu.yield
    }) : () -> ()
    %dma_start3A = arith.constant 0 : i32
    %dma_start3A_5 = tpu.memref_slice %arg10[%dma_start3A] : memref<256xi32, #tpu.memory_space<vmem>> -> memref<128xi32, #tpu.memory_space<vmem>>
    %dma_start3A_6 = arith.constant 0 : i32
    %dma_start3A_7 = tpu.memref_slice %arg9[%dma_start3A_6] : memref<256xi32, #tpu.memory_space<vmem>> -> memref<128xi32, #tpu.memory_space<vmem>>
    %dma_start3A_8 = arith.constant 0 : i32
    %dma_start3A_9 = tpu.memref_slice %arg2[%dma_start3A_8] : memref<100000xi32, #tpu.memory_space<hbm>> -> memref<100000xi32, #tpu.memory_space<hbm>>
    tpu.enqueue_indirect_dma source(%dma_start3A_9 : memref<100000xi32, #tpu.memory_space<hbm>>) target(%dma_start3A_5 : memref<128xi32, #tpu.memory_space<vmem>>) offsets(%dma_start3A_7 : memref<128xi32, #tpu.memory_space<vmem>>) semaphore(%arg16 : memref<!tpu.dma_semaphore, #tpu.memory_space<semaphore_mem>>)
    %dma_start3A_10 = arith.constant 128 : i32
    %dma_start3A_11 = tpu.memref_slice %arg10[%dma_start3A_10] : memref<256xi32, #tpu.memory_space<vmem>> -> memref<128xi32, #tpu.memory_space<vmem>>
    %dma_start3A_12 = arith.constant 128 : i32
    %dma_start3A_13 = tpu.memref_slice %arg9[%dma_start3A_12] : memref<256xi32, #tpu.memory_space<vmem>> -> memref<128xi32, #tpu.memory_space<vmem>>
    %dma_start3A_14 = arith.constant 0 : i32
    %dma_start3A_15 = tpu.memref_slice %arg2[%dma_start3A_14] : memref<100000xi32, #tpu.memory_space<hbm>> -> memref<100000xi32, #tpu.memory_space<hbm>>
    tpu.enqueue_indirect_dma source(%dma_start3A_15 : memref<100000xi32, #tpu.memory_space<hbm>>) target(%dma_start3A_11 : memref<128xi32, #tpu.memory_space<vmem>>) offsets(%dma_start3A_13 : memref<128xi32, #tpu.memory_space<vmem>>) semaphore(%arg16 : memref<!tpu.dma_semaphore, #tpu.memory_space<semaphore_mem>>)
    %dma_wait3A = arith.constant 0 : i32
    %dma_wait3A_16 = tpu.memref_slice %arg10[%dma_wait3A] : memref<256xi32, #tpu.memory_space<vmem>> -> memref<128xi32, #tpu.memory_space<vmem>>
    %dma_wait3A_17 = arith.constant 0 : i32
    %dma_wait3A_18 = tpu.memref_slice %arg9[%dma_wait3A_17] : memref<256xi32, #tpu.memory_space<vmem>> -> memref<128xi32, #tpu.memory_space<vmem>>
    %dma_wait3A_19 = arith.constant 0 : i32
    %dma_wait3A_20 = tpu.memref_slice %arg2[%dma_wait3A_19] : memref<100000xi32, #tpu.memory_space<hbm>> -> memref<100000xi32, #tpu.memory_space<hbm>>
    tpu.wait_indirect_dma semaphore(%arg16 : memref<!tpu.dma_semaphore, #tpu.memory_space<semaphore_mem>>) src(%dma_wait3A_20 : memref<100000xi32, #tpu.memory_space<hbm>>) dst(%dma_wait3A_16 : memref<128xi32, #tpu.memory_space<vmem>>)
    %dma_wait3A_21 = arith.constant 128 : i32
    %dma_wait3A_22 = tpu.memref_slice %arg10[%dma_wait3A_21] : memref<256xi32, #tpu.memory_space<vmem>> -> memref<128xi32, #tpu.memory_space<vmem>>
    %dma_wait3A_23 = arith.constant 128 : i32
    %dma_wait3A_24 = tpu.memref_slice %arg9[%dma_wait3A_23] : memref<256xi32, #tpu.memory_space<vmem>> -> memref<128xi32, #tpu.memory_space<vmem>>
    %dma_wait3A_25 = arith.constant 0 : i32
    %dma_wait3A_26 = tpu.memref_slice %arg2[%dma_wait3A_25] : memref<100000xi32, #tpu.memory_space<hbm>> -> memref<100000xi32, #tpu.memory_space<hbm>>
    tpu.wait_indirect_dma semaphore(%arg16 : memref<!tpu.dma_semaphore, #tpu.memory_space<semaphore_mem>>) src(%dma_wait3A_26 : memref<100000xi32, #tpu.memory_space<hbm>>) dst(%dma_wait3A_22 : memref<128xi32, #tpu.memory_space<vmem>>)
    %scan3A = arith.constant 0 : i32
    %scan3A_27 = arith.constant 16 : i32
    %scan3A_28 = arith.addi %scan3A, %scan3A_27 : i32
    %scan3A_29 = arith.constant 1 : i32
    scf.for %scan3A_111 = %scan3A to %scan3A_28 step %scan3A_29  : i32 {
      %mul3A_112 = arith.constant 16 : i32
      %mul3A_113 = arith.muli %scan3A_111, %mul3A_112 : i32
      %add3A_114 = arith.constant 0 : i32
      %add3A_115 = arith.addi %add3A_114, %mul3A_113 : i32
      %get3A = arith.index_cast %add3A_115 : i32 to index
      %get3A_116 = tpu.vector_load %arg10[%get3A] {strides = array<i32>} : memref<256xi32, #tpu.memory_space<vmem>>, vector<16xi32>,
      %get3A_117 = vector.shape_cast %get3A_116 : vector<16xi32> to vector<16xi32>
      %iota3A = tpu.iota {dimensions = array<i32: 0>} : vector<16xi32>
      %add3A_118 = arith.addi %add3A_4, %add3A_115 : i32
      %add3A_119 = vector.broadcast %add3A_118 : i32 to vector<16xi32>
      %add3A_120 = arith.addi %iota3A, %add3A_119 : vector<16xi32>
      %ge3A = arith.constant 0 : i32
      %ge3A_121 = vector.broadcast %ge3A : i32 to vector<16xi32>
      %ge3A_122 = arith.cmpi sge, %get3A_117, %ge3A_121 : vector<16xi32>
      %select_n3A = arith.select %ge3A_122, %get3A_117, %add3A_120 : vector<16xi1>, vector<16xi32>
      %swap3A = arith.index_cast %add3A_115 : i32 to index
      %swap3A_123 = tpu.vector_load %arg11[%swap3A] {strides = array<i32>} : memref<256xi32, #tpu.memory_space<vmem>>, vector<16xi32>,
      %swap3A_124 = vector.shape_cast %swap3A_123 : vector<16xi32> to vector<16xi32>
      %swap3A_125 = vector.shape_cast %select_n3A : vector<16xi32> to vector<16xi32>
      tpu.vector_store %arg11[%swap3A], %swap3A_125 {strides = array<i32>} : memref<256xi32, #tpu.memory_space<vmem>>, vector<16xi32>,
    }
    %scan3A_30 = arith.constant 16 : i32
    %dma_start3A_31 = tpu.memref_slice %arg8[%mul3A_2] : memref<8192xi32, #tpu.memory_space<hbm>> -> memref<256xi32, #tpu.memory_space<hbm>>
    %dma_start3A_32 = tpu.memref_slice %arg8[%mul3A_2] : memref<8192xi32, #tpu.memory_space<hbm>> -> memref<256xi32, #tpu.memory_space<hbm>>
    tpu.enqueue_dma source(%arg10 : memref<256xi32, #tpu.memory_space<vmem>>) target(%dma_start3A_32 : memref<256xi32, #tpu.memory_space<hbm>>) target_semaphore(%arg16 : memref<!tpu.dma_semaphore, #tpu.memory_space<semaphore_mem>>)
    %dma_start3A_33 = arith.constant 0 : i32
    %dma_start3A_34 = tpu.memref_slice %arg11[%dma_start3A_33] : memref<256xi32, #tpu.memory_space<vmem>> -> memref<128xi32, #tpu.memory_space<vmem>>
    %dma_start3A_35 = arith.constant 0 : i32
    %dma_start3A_36 = arith.constant 0 : i32
    %dma_start3A_37 = tpu.memref_slice %arg4[%dma_start3A_35, %dma_start3A_36] : memref<80000x256xf32, #tpu.memory_space<hbm>> -> memref<80000x256xf32, #tpu.memory_space<hbm>>
    tpu.enqueue_indirect_dma source(%dma_start3A_37 : memref<80000x256xf32, #tpu.memory_space<hbm>>) target(%arg12 : memref<128x256xf32, #tpu.memory_space<vmem>>) offsets(%dma_start3A_34 : memref<128xi32, #tpu.memory_space<vmem>>) semaphore(%arg17 : memref<!tpu.dma_semaphore, #tpu.memory_space<semaphore_mem>>)
    %dma_start3A_38 = arith.constant 0 : i32
    %dma_start3A_39 = tpu.memref_slice %arg9[%dma_start3A_38] : memref<256xi32, #tpu.memory_space<vmem>> -> memref<128xi32, #tpu.memory_space<vmem>>
    %dma_start3A_40 = arith.constant 0 : i32
    %dma_start3A_41 = arith.constant 0 : i32
    %dma_start3A_42 = tpu.memref_slice %arg5[%dma_start3A_40, %dma_start3A_41] : memref<100000x128xf32, #tpu.memory_space<hbm>> -> memref<100000x128xf32, #tpu.memory_space<hbm>>
    tpu.enqueue_indirect_dma source(%dma_start3A_42 : memref<100000x128xf32, #tpu.memory_space<hbm>>) target(%arg14 : memref<128x128xf32, #tpu.memory_space<vmem>>) offsets(%dma_start3A_39 : memref<128xi32, #tpu.memory_space<vmem>>) semaphore(%arg18 : memref<!tpu.dma_semaphore, #tpu.memory_space<semaphore_mem>>)
    %dma_start3A_43 = arith.constant 128 : i32
    %dma_start3A_44 = tpu.memref_slice %arg11[%dma_start3A_43] : memref<256xi32, #tpu.memory_space<vmem>> -> memref<128xi32, #tpu.memory_space<vmem>>
    %dma_start3A_45 = arith.constant 0 : i32
    %dma_start3A_46 = arith.constant 0 : i32
    %dma_start3A_47 = tpu.memref_slice %arg4[%dma_start3A_45, %dma_start3A_46] : memref<80000x256xf32, #tpu.memory_space<hbm>> -> memref<80000x256xf32, #tpu.memory_space<hbm>>
    tpu.enqueue_indirect_dma source(%dma_start3A_47 : memref<80000x256xf32, #tpu.memory_space<hbm>>) target(%arg13 : memref<128x256xf32, #tpu.memory_space<vmem>>) offsets(%dma_start3A_44 : memref<128xi32, #tpu.memory_space<vmem>>) semaphore(%arg17 : memref<!tpu.dma_semaphore, #tpu.memory_space<semaphore_mem>>)
    %dma_start3A_48 = arith.constant 128 : i32
    %dma_start3A_49 = tpu.memref_slice %arg9[%dma_start3A_48] : memref<256xi32, #tpu.memory_space<vmem>> -> memref<128xi32, #tpu.memory_space<vmem>>
    %dma_start3A_50 = arith.constant 0 : i32
    %dma_start3A_51 = arith.constant 0 : i32
    %dma_start3A_52 = tpu.memref_slice %arg5[%dma_start3A_50, %dma_start3A_51] : memref<100000x128xf32, #tpu.memory_space<hbm>> -> memref<100000x128xf32, #tpu.memory_space<hbm>>
    tpu.enqueue_indirect_dma source(%dma_start3A_52 : memref<100000x128xf32, #tpu.memory_space<hbm>>) target(%arg15 : memref<128x128xf32, #tpu.memory_space<vmem>>) offsets(%dma_start3A_49 : memref<128xi32, #tpu.memory_space<vmem>>) semaphore(%arg18 : memref<!tpu.dma_semaphore, #tpu.memory_space<semaphore_mem>>)
    %dma_wait3A_53 = arith.constant 0 : i32
    %dma_wait3A_54 = tpu.memref_slice %arg11[%dma_wait3A_53] : memref<256xi32, #tpu.memory_space<vmem>> -> memref<128xi32, #tpu.memory_space<vmem>>
    %dma_wait3A_55 = arith.constant 0 : i32
    %dma_wait3A_56 = arith.constant 0 : i32
    %dma_wait3A_57 = tpu.memref_slice %arg4[%dma_wait3A_55, %dma_wait3A_56] : memref<80000x256xf32, #tpu.memory_space<hbm>> -> memref<80000x256xf32, #tpu.memory_space<hbm>>
    tpu.wait_indirect_dma semaphore(%arg17 : memref<!tpu.dma_semaphore, #tpu.memory_space<semaphore_mem>>) src(%dma_wait3A_57 : memref<80000x256xf32, #tpu.memory_space<hbm>>) dst(%arg12 : memref<128x256xf32, #tpu.memory_space<vmem>>)
    %dma_wait3A_58 = arith.constant 0 : i32
    %dma_wait3A_59 = tpu.memref_slice %arg9[%dma_wait3A_58] : memref<256xi32, #tpu.memory_space<vmem>> -> memref<128xi32, #tpu.memory_space<vmem>>
    %dma_wait3A_60 = arith.constant 0 : i32
    %dma_wait3A_61 = arith.constant 0 : i32
    %dma_wait3A_62 = tpu.memref_slice %arg5[%dma_wait3A_60, %dma_wait3A_61] : memref<100000x128xf32, #tpu.memory_space<hbm>> -> memref<100000x128xf32, #tpu.memory_space<hbm>>
    tpu.wait_indirect_dma semaphore(%arg18 : memref<!tpu.dma_semaphore, #tpu.memory_space<semaphore_mem>>) src(%dma_wait3A_62 : memref<100000x128xf32, #tpu.memory_space<hbm>>) dst(%arg14 : memref<128x128xf32, #tpu.memory_space<vmem>>)
    %add3A_63 = arith.constant 0 : i32
    %add3A_64 = arith.addi %mul3A_2, %add3A_63 : i32
    %dma_start3A_65 = arith.constant 0 : i32
    %dma_start3A_66 = tpu.memref_slice %arg6[%add3A_64, %dma_start3A_65] : memref<8192x256xf32, #tpu.memory_space<hbm>> -> memref<128x256xf32, #tpu.memory_space<hbm>>
    %dma_start3A_67 = arith.constant 0 : i32
    %dma_start3A_68 = tpu.memref_slice %arg6[%add3A_64, %dma_start3A_67] : memref<8192x256xf32, #tpu.memory_space<hbm>> -> memref<128x256xf32, #tpu.memory_space<hbm>>
    tpu.enqueue_dma source(%arg12 : memref<128x256xf32, #tpu.memory_space<vmem>>) target(%dma_start3A_68 : memref<128x256xf32, #tpu.memory_space<hbm>>) target_semaphore(%arg19 : memref<!tpu.dma_semaphore, #tpu.memory_space<semaphore_mem>>)
    %dma_start3A_69 = arith.constant 0 : i32
    %dma_start3A_70 = tpu.memref_slice %arg7[%add3A_64, %dma_start3A_69] : memref<8192x128xf32, #tpu.memory_space<hbm>> -> memref<128x128xf32, #tpu.memory_space<hbm>>
    %dma_start3A_71 = arith.constant 0 : i32
    %dma_start3A_72 = tpu.memref_slice %arg7[%add3A_64, %dma_start3A_71] : memref<8192x128xf32, #tpu.memory_space<hbm>> -> memref<128x128xf32, #tpu.memory_space<hbm>>
    tpu.enqueue_dma source(%arg14 : memref<128x128xf32, #tpu.memory_space<vmem>>) target(%dma_start3A_72 : memref<128x128xf32, #tpu.memory_space<hbm>>) target_semaphore(%arg20 : memref<!tpu.dma_semaphore, #tpu.memory_space<semaphore_mem>>)
    %dma_wait3A_73 = arith.constant 0 : i32
    %dma_wait3A_74 = tpu.memref_slice %arg6[%add3A_64, %dma_wait3A_73] : memref<8192x256xf32, #tpu.memory_space<hbm>> -> memref<128x256xf32, #tpu.memory_space<hbm>>
    %dma_wait3A_75 = arith.constant 0 : i32
    %dma_wait3A_76 = tpu.memref_slice %arg6[%add3A_64, %dma_wait3A_75] : memref<8192x256xf32, #tpu.memory_space<hbm>> -> memref<128x256xf32, #tpu.memory_space<hbm>>
    tpu.wait_dma2 semaphore(%arg19 : memref<!tpu.dma_semaphore, #tpu.memory_space<semaphore_mem>>) src(%arg12 : memref<128x256xf32, #tpu.memory_space<vmem>>) dst(%dma_wait3A_76 : memref<128x256xf32, #tpu.memory_space<hbm>>)
    %dma_wait3A_77 = arith.constant 0 : i32
    %dma_wait3A_78 = tpu.memref_slice %arg7[%add3A_64, %dma_wait3A_77] : memref<8192x128xf32, #tpu.memory_space<hbm>> -> memref<128x128xf32, #tpu.memory_space<hbm>>
    %dma_wait3A_79 = arith.constant 0 : i32
    %dma_wait3A_80 = tpu.memref_slice %arg7[%add3A_64, %dma_wait3A_79] : memref<8192x128xf32, #tpu.memory_space<hbm>> -> memref<128x128xf32, #tpu.memory_space<hbm>>
    tpu.wait_dma2 semaphore(%arg20 : memref<!tpu.dma_semaphore, #tpu.memory_space<semaphore_mem>>) src(%arg14 : memref<128x128xf32, #tpu.memory_space<vmem>>) dst(%dma_wait3A_80 : memref<128x128xf32, #tpu.memory_space<hbm>>)
    %dma_wait3A_81 = arith.constant 128 : i32
    %dma_wait3A_82 = tpu.memref_slice %arg11[%dma_wait3A_81] : memref<256xi32, #tpu.memory_space<vmem>> -> memref<128xi32, #tpu.memory_space<vmem>>
    %dma_wait3A_83 = arith.constant 0 : i32
    %dma_wait3A_84 = arith.constant 0 : i32
    %dma_wait3A_85 = tpu.memref_slice %arg4[%dma_wait3A_83, %dma_wait3A_84] : memref<80000x256xf32, #tpu.memory_space<hbm>> -> memref<80000x256xf32, #tpu.memory_space<hbm>>
    tpu.wait_indirect_dma semaphore(%arg17 : memref<!tpu.dma_semaphore, #tpu.memory_space<semaphore_mem>>) src(%dma_wait3A_85 : memref<80000x256xf32, #tpu.memory_space<hbm>>) dst(%arg13 : memref<128x256xf32, #tpu.memory_space<vmem>>)
    %dma_wait3A_86 = arith.constant 128 : i32
    %dma_wait3A_87 = tpu.memref_slice %arg9[%dma_wait3A_86] : memref<256xi32, #tpu.memory_space<vmem>> -> memref<128xi32, #tpu.memory_space<vmem>>
    %dma_wait3A_88 = arith.constant 0 : i32
    %dma_wait3A_89 = arith.constant 0 : i32
    %dma_wait3A_90 = tpu.memref_slice %arg5[%dma_wait3A_88, %dma_wait3A_89] : memref<100000x128xf32, #tpu.memory_space<hbm>> -> memref<100000x128xf32, #tpu.memory_space<hbm>>
    tpu.wait_indirect_dma semaphore(%arg18 : memref<!tpu.dma_semaphore, #tpu.memory_space<semaphore_mem>>) src(%dma_wait3A_90 : memref<100000x128xf32, #tpu.memory_space<hbm>>) dst(%arg15 : memref<128x128xf32, #tpu.memory_space<vmem>>)
    %add3A_91 = arith.constant 128 : i32
    %add3A_92 = arith.addi %mul3A_2, %add3A_91 : i32
    %dma_start3A_93 = arith.constant 0 : i32
    %dma_start3A_94 = tpu.memref_slice %arg6[%add3A_92, %dma_start3A_93] : memref<8192x256xf32, #tpu.memory_space<hbm>> -> memref<128x256xf32, #tpu.memory_space<hbm>>
    %dma_start3A_95 = arith.constant 0 : i32
    %dma_start3A_96 = tpu.memref_slice %arg6[%add3A_92, %dma_start3A_95] : memref<8192x256xf32, #tpu.memory_space<hbm>> -> memref<128x256xf32, #tpu.memory_space<hbm>>
    tpu.enqueue_dma source(%arg13 : memref<128x256xf32, #tpu.memory_space<vmem>>) target(%dma_start3A_96 : memref<128x256xf32, #tpu.memory_space<hbm>>) target_semaphore(%arg19 : memref<!tpu.dma_semaphore, #tpu.memory_space<semaphore_mem>>)
    %dma_start3A_97 = arith.constant 0 : i32
    %dma_start3A_98 = tpu.memref_slice %arg7[%add3A_92, %dma_start3A_97] : memref<8192x128xf32, #tpu.memory_space<hbm>> -> memref<128x128xf32, #tpu.memory_space<hbm>>
    %dma_start3A_99 = arith.constant 0 : i32
    %dma_start3A_100 = tpu.memref_slice %arg7[%add3A_92, %dma_start3A_99] : memref<8192x128xf32, #tpu.memory_space<hbm>> -> memref<128x128xf32, #tpu.memory_space<hbm>>
    tpu.enqueue_dma source(%arg15 : memref<128x128xf32, #tpu.memory_space<vmem>>) target(%dma_start3A_100 : memref<128x128xf32, #tpu.memory_space<hbm>>) target_semaphore(%arg20 : memref<!tpu.dma_semaphore, #tpu.memory_space<semaphore_mem>>)
    %dma_wait3A_101 = arith.constant 0 : i32
    %dma_wait3A_102 = tpu.memref_slice %arg6[%add3A_92, %dma_wait3A_101] : memref<8192x256xf32, #tpu.memory_space<hbm>> -> memref<128x256xf32, #tpu.memory_space<hbm>>
    %dma_wait3A_103 = arith.constant 0 : i32
    %dma_wait3A_104 = tpu.memref_slice %arg6[%add3A_92, %dma_wait3A_103] : memref<8192x256xf32, #tpu.memory_space<hbm>> -> memref<128x256xf32, #tpu.memory_space<hbm>>
    tpu.wait_dma2 semaphore(%arg19 : memref<!tpu.dma_semaphore, #tpu.memory_space<semaphore_mem>>) src(%arg13 : memref<128x256xf32, #tpu.memory_space<vmem>>) dst(%dma_wait3A_104 : memref<128x256xf32, #tpu.memory_space<hbm>>)
    %dma_wait3A_105 = arith.constant 0 : i32
    %dma_wait3A_106 = tpu.memref_slice %arg7[%add3A_92, %dma_wait3A_105] : memref<8192x128xf32, #tpu.memory_space<hbm>> -> memref<128x128xf32, #tpu.memory_space<hbm>>
    %dma_wait3A_107 = arith.constant 0 : i32
    %dma_wait3A_108 = tpu.memref_slice %arg7[%add3A_92, %dma_wait3A_107] : memref<8192x128xf32, #tpu.memory_space<hbm>> -> memref<128x128xf32, #tpu.memory_space<hbm>>
    tpu.wait_dma2 semaphore(%arg20 : memref<!tpu.dma_semaphore, #tpu.memory_space<semaphore_mem>>) src(%arg15 : memref<128x128xf32, #tpu.memory_space<vmem>>) dst(%dma_wait3A_108 : memref<128x128xf32, #tpu.memory_space<hbm>>)
    %dma_wait3A_109 = tpu.memref_slice %arg8[%mul3A_2] : memref<8192xi32, #tpu.memory_space<hbm>> -> memref<256xi32, #tpu.memory_space<hbm>>
    %dma_wait3A_110 = tpu.memref_slice %arg8[%mul3A_2] : memref<8192xi32, #tpu.memory_space<hbm>> -> memref<256xi32, #tpu.memory_space<hbm>>
    tpu.wait_dma2 semaphore(%arg16 : memref<!tpu.dma_semaphore, #tpu.memory_space<semaphore_mem>>) src(%arg10 : memref<256xi32, #tpu.memory_space<vmem>>) dst(%dma_wait3A_110 : memref<256xi32, #tpu.memory_space<hbm>>)
    return
  }
}

#map = affine_map<(d0, d1) -> (0)>
#map1 = affine_map<(d0, d1) -> (0, 0)>
module attributes {stable_mosaic.version = 14 : i64} {
  func.func @sc_kernel(%arg0: i32, %arg1: i32, %arg2: memref<100000xi32, #tpu.memory_space<hbm>>, %arg3: memref<16384xi32, #tpu.memory_space<hbm>>, %arg4: memref<80000x256xf32, #tpu.memory_space<hbm>>, %arg5: memref<100000x128xf32, #tpu.memory_space<hbm>>, %arg6: memref<8192x256xf32, #tpu.memory_space<hbm>>, %arg7: memref<8192x128xf32, #tpu.memory_space<hbm>>, %arg8: memref<8192xi32, #tpu.memory_space<hbm>>, %arg9: memref<256xi32, #tpu.memory_space<vmem>>, %arg10: memref<256xi32, #tpu.memory_space<vmem>>, %arg11: memref<256xi32, #tpu.memory_space<vmem>>, %arg12: memref<128x256xf32, #tpu.memory_space<vmem>>, %arg13: memref<128x256xf32, #tpu.memory_space<vmem>>, %arg14: memref<128x128xf32, #tpu.memory_space<vmem>>, %arg15: memref<128x128xf32, #tpu.memory_space<vmem>>, %arg16: memref<!tpu.dma_semaphore, #tpu.memory_space<semaphore_mem>>, %arg17: memref<!tpu.dma_semaphore, #tpu.memory_space<semaphore_mem>>, %arg18: memref<!tpu.dma_semaphore, #tpu.memory_space<semaphore_mem>>, %arg19: memref<!tpu.dma_semaphore, #tpu.memory_space<semaphore_mem>>, %arg20: memref<!tpu.dma_semaphore, #tpu.memory_space<semaphore_mem>>) attributes {dimension_semantics = [#tpu.dimension_semantics<core_parallel>, #tpu.dimension_semantics<subcore_parallel>], iteration_bounds = array<i64: 2, 16>, scalar_prefetch = 0 : i64, scratch_operands = 12 : i64, tpu.core_type = #tpu.core_type<sc_vector_subcore>, window_params = [{transform_indices = #map}, {transform_indices = #map}, {transform_indices = #map1}, {transform_indices = #map1}, {transform_indices = #map1}, {transform_indices = #map1}, {transform_indices = #map}]} {
    %mul3A = arith.constant 2 : i32
    %mul3A_0 = arith.muli %arg1, %mul3A : i32
    %add3A = arith.addi %mul3A_0, %arg0 : i32
    %mul3A_1 = arith.constant 256 : i32
    %mul3A_2 = arith.muli %add3A, %mul3A_1 : i32
    %add3A_3 = arith.constant 8192 : i32
    %add3A_4 = arith.addi %add3A_3, %mul3A_2 : i32
    "tpu.region"() ({
      %run_scoped3A = tpu.sem_alloc : memref<!tpu.dma_semaphore, #tpu.memory_space<semaphore_mem>>
      %dma_start3A_111 = tpu.memref_slice %arg3[%add3A_4] : memref<16384xi32, #tpu.memory_space<hbm>> -> memref<256xi32, #tpu.memory_space<hbm>>
      %dma_start3A_112 = tpu.memref_slice %arg3[%add3A_4] : memref<16384xi32, #tpu.memory_space<hbm>> -> memref<256xi32, #tpu.memory_space<hbm>>
      tpu.enqueue_dma source(%dma_start3A_112 : memref<256xi32, #tpu.memory_space<hbm>>) target(%arg9 : memref<256xi32, #tpu.memory_space<vmem>>) target_semaphore(%run_scoped3A : memref<!tpu.dma_semaphore, #tpu.memory_space<semaphore_mem>>)
      %dma_wait3A_113 = tpu.memref_slice %arg3[%add3A_4] : memref<16384xi32, #tpu.memory_space<hbm>> -> memref<256xi32, #tpu.memory_space<hbm>>
      %dma_wait3A_114 = tpu.memref_slice %arg3[%add3A_4] : memref<16384xi32, #tpu.memory_space<hbm>> -> memref<256xi32, #tpu.memory_space<hbm>>
      tpu.wait_dma2 semaphore(%run_scoped3A : memref<!tpu.dma_semaphore, #tpu.memory_space<semaphore_mem>>) src(%dma_wait3A_114 : memref<256xi32, #tpu.memory_space<hbm>>) dst(%arg9 : memref<256xi32, #tpu.memory_space<vmem>>)
      tpu.yield
    }) : () -> ()
    %dma_start3A = arith.constant 0 : i32
    %dma_start3A_5 = tpu.memref_slice %arg10[%dma_start3A] : memref<256xi32, #tpu.memory_space<vmem>> -> memref<128xi32, #tpu.memory_space<vmem>>
    %dma_start3A_6 = arith.constant 0 : i32
    %dma_start3A_7 = tpu.memref_slice %arg9[%dma_start3A_6] : memref<256xi32, #tpu.memory_space<vmem>> -> memref<128xi32, #tpu.memory_space<vmem>>
    %dma_start3A_8 = arith.constant 0 : i32
    %dma_start3A_9 = tpu.memref_slice %arg2[%dma_start3A_8] : memref<100000xi32, #tpu.memory_space<hbm>> -> memref<100000xi32, #tpu.memory_space<hbm>>
    tpu.enqueue_indirect_dma source(%dma_start3A_9 : memref<100000xi32, #tpu.memory_space<hbm>>) target(%dma_start3A_5 : memref<128xi32, #tpu.memory_space<vmem>>) offsets(%dma_start3A_7 : memref<128xi32, #tpu.memory_space<vmem>>) semaphore(%arg16 : memref<!tpu.dma_semaphore, #tpu.memory_space<semaphore_mem>>)
    %dma_start3A_10 = arith.constant 128 : i32
    %dma_start3A_11 = tpu.memref_slice %arg10[%dma_start3A_10] : memref<256xi32, #tpu.memory_space<vmem>> -> memref<128xi32, #tpu.memory_space<vmem>>
    %dma_start3A_12 = arith.constant 128 : i32
    %dma_start3A_13 = tpu.memref_slice %arg9[%dma_start3A_12] : memref<256xi32, #tpu.memory_space<vmem>> -> memref<128xi32, #tpu.memory_space<vmem>>
    %dma_start3A_14 = arith.constant 0 : i32
    %dma_start3A_15 = tpu.memref_slice %arg2[%dma_start3A_14] : memref<100000xi32, #tpu.memory_space<hbm>> -> memref<100000xi32, #tpu.memory_space<hbm>>
    tpu.enqueue_indirect_dma source(%dma_start3A_15 : memref<100000xi32, #tpu.memory_space<hbm>>) target(%dma_start3A_11 : memref<128xi32, #tpu.memory_space<vmem>>) offsets(%dma_start3A_13 : memref<128xi32, #tpu.memory_space<vmem>>) semaphore(%arg16 : memref<!tpu.dma_semaphore, #tpu.memory_space<semaphore_mem>>)
    %dma_wait3A = arith.constant 0 : i32
    %dma_wait3A_16 = tpu.memref_slice %arg10[%dma_wait3A] : memref<256xi32, #tpu.memory_space<vmem>> -> memref<128xi32, #tpu.memory_space<vmem>>
    %dma_wait3A_17 = arith.constant 0 : i32
    %dma_wait3A_18 = tpu.memref_slice %arg9[%dma_wait3A_17] : memref<256xi32, #tpu.memory_space<vmem>> -> memref<128xi32, #tpu.memory_space<vmem>>
    %dma_wait3A_19 = arith.constant 0 : i32
    %dma_wait3A_20 = tpu.memref_slice %arg2[%dma_wait3A_19] : memref<100000xi32, #tpu.memory_space<hbm>> -> memref<100000xi32, #tpu.memory_space<hbm>>
    tpu.wait_indirect_dma semaphore(%arg16 : memref<!tpu.dma_semaphore, #tpu.memory_space<semaphore_mem>>) src(%dma_wait3A_20 : memref<100000xi32, #tpu.memory_space<hbm>>) dst(%dma_wait3A_16 : memref<128xi32, #tpu.memory_space<vmem>>)
    %dma_wait3A_21 = arith.constant 128 : i32
    %dma_wait3A_22 = tpu.memref_slice %arg10[%dma_wait3A_21] : memref<256xi32, #tpu.memory_space<vmem>> -> memref<128xi32, #tpu.memory_space<vmem>>
    %dma_wait3A_23 = arith.constant 128 : i32
    %dma_wait3A_24 = tpu.memref_slice %arg9[%dma_wait3A_23] : memref<256xi32, #tpu.memory_space<vmem>> -> memref<128xi32, #tpu.memory_space<vmem>>
    %dma_wait3A_25 = arith.constant 0 : i32
    %dma_wait3A_26 = tpu.memref_slice %arg2[%dma_wait3A_25] : memref<100000xi32, #tpu.memory_space<hbm>> -> memref<100000xi32, #tpu.memory_space<hbm>>
    tpu.wait_indirect_dma semaphore(%arg16 : memref<!tpu.dma_semaphore, #tpu.memory_space<semaphore_mem>>) src(%dma_wait3A_26 : memref<100000xi32, #tpu.memory_space<hbm>>) dst(%dma_wait3A_22 : memref<128xi32, #tpu.memory_space<vmem>>)
    %scan3A = arith.constant 0 : i32
    %scan3A_27 = arith.constant 16 : i32
    %scan3A_28 = arith.addi %scan3A, %scan3A_27 : i32
    %scan3A_29 = arith.constant 1 : i32
    scf.for %scan3A_111 = %scan3A to %scan3A_28 step %scan3A_29  : i32 {
      %mul3A_112 = arith.constant 16 : i32
      %mul3A_113 = arith.muli %scan3A_111, %mul3A_112 : i32
      %add3A_114 = arith.constant 0 : i32
      %add3A_115 = arith.addi %add3A_114, %mul3A_113 : i32
      %get3A = arith.index_cast %add3A_115 : i32 to index
      %get3A_116 = tpu.vector_load %arg10[%get3A] {strides = array<i32>} : memref<256xi32, #tpu.memory_space<vmem>>, vector<16xi32>,
      %get3A_117 = vector.shape_cast %get3A_116 : vector<16xi32> to vector<16xi32>
      %iota3A = tpu.iota {dimensions = array<i32: 0>} : vector<16xi32>
      %add3A_118 = arith.addi %add3A_4, %add3A_115 : i32
      %add3A_119 = vector.broadcast %add3A_118 : i32 to vector<16xi32>
      %add3A_120 = arith.addi %iota3A, %add3A_119 : vector<16xi32>
      %ge3A = arith.constant 0 : i32
      %ge3A_121 = vector.broadcast %ge3A : i32 to vector<16xi32>
      %ge3A_122 = arith.cmpi sge, %get3A_117, %ge3A_121 : vector<16xi32>
      %select_n3A = arith.select %ge3A_122, %get3A_117, %add3A_120 : vector<16xi1>, vector<16xi32>
      %swap3A = arith.index_cast %add3A_115 : i32 to index
      %swap3A_123 = tpu.vector_load %arg11[%swap3A] {strides = array<i32>} : memref<256xi32, #tpu.memory_space<vmem>>, vector<16xi32>,
      %swap3A_124 = vector.shape_cast %swap3A_123 : vector<16xi32> to vector<16xi32>
      %swap3A_125 = vector.shape_cast %select_n3A : vector<16xi32> to vector<16xi32>
      tpu.vector_store %arg11[%swap3A], %swap3A_125 {strides = array<i32>} : memref<256xi32, #tpu.memory_space<vmem>>, vector<16xi32>,
    }
    %scan3A_30 = arith.constant 16 : i32
    %dma_start3A_31 = tpu.memref_slice %arg8[%mul3A_2] : memref<8192xi32, #tpu.memory_space<hbm>> -> memref<256xi32, #tpu.memory_space<hbm>>
    %dma_start3A_32 = tpu.memref_slice %arg8[%mul3A_2] : memref<8192xi32, #tpu.memory_space<hbm>> -> memref<256xi32, #tpu.memory_space<hbm>>
    tpu.enqueue_dma source(%arg10 : memref<256xi32, #tpu.memory_space<vmem>>) target(%dma_start3A_32 : memref<256xi32, #tpu.memory_space<hbm>>) target_semaphore(%arg16 : memref<!tpu.dma_semaphore, #tpu.memory_space<semaphore_mem>>)
    %dma_start3A_33 = arith.constant 0 : i32
    %dma_start3A_34 = tpu.memref_slice %arg11[%dma_start3A_33] : memref<256xi32, #tpu.memory_space<vmem>> -> memref<128xi32, #tpu.memory_space<vmem>>
    %dma_start3A_35 = arith.constant 0 : i32
    %dma_start3A_36 = arith.constant 0 : i32
    %dma_start3A_37 = tpu.memref_slice %arg4[%dma_start3A_35, %dma_start3A_36] : memref<80000x256xf32, #tpu.memory_space<hbm>> -> memref<80000x256xf32, #tpu.memory_space<hbm>>
    tpu.enqueue_indirect_dma source(%dma_start3A_37 : memref<80000x256xf32, #tpu.memory_space<hbm>>) target(%arg12 : memref<128x256xf32, #tpu.memory_space<vmem>>) offsets(%dma_start3A_34 : memref<128xi32, #tpu.memory_space<vmem>>) semaphore(%arg17 : memref<!tpu.dma_semaphore, #tpu.memory_space<semaphore_mem>>)
    %dma_start3A_38 = arith.constant 0 : i32
    %dma_start3A_39 = tpu.memref_slice %arg9[%dma_start3A_38] : memref<256xi32, #tpu.memory_space<vmem>> -> memref<128xi32, #tpu.memory_space<vmem>>
    %dma_start3A_40 = arith.constant 0 : i32
    %dma_start3A_41 = arith.constant 0 : i32
    %dma_start3A_42 = tpu.memref_slice %arg5[%dma_start3A_40, %dma_start3A_41] : memref<100000x128xf32, #tpu.memory_space<hbm>> -> memref<100000x128xf32, #tpu.memory_space<hbm>>
    tpu.enqueue_indirect_dma source(%dma_start3A_42 : memref<100000x128xf32, #tpu.memory_space<hbm>>) target(%arg14 : memref<128x128xf32, #tpu.memory_space<vmem>>) offsets(%dma_start3A_39 : memref<128xi32, #tpu.memory_space<vmem>>) semaphore(%arg18 : memref<!tpu.dma_semaphore, #tpu.memory_space<semaphore_mem>>)
    %dma_start3A_43 = arith.constant 128 : i32
    %dma_start3A_44 = tpu.memref_slice %arg11[%dma_start3A_43] : memref<256xi32, #tpu.memory_space<vmem>> -> memref<128xi32, #tpu.memory_space<vmem>>
    %dma_start3A_45 = arith.constant 0 : i32
    %dma_start3A_46 = arith.constant 0 : i32
    %dma_start3A_47 = tpu.memref_slice %arg4[%dma_start3A_45, %dma_start3A_46] : memref<80000x256xf32, #tpu.memory_space<hbm>> -> memref<80000x256xf32, #tpu.memory_space<hbm>>
    tpu.enqueue_indirect_dma source(%dma_start3A_47 : memref<80000x256xf32, #tpu.memory_space<hbm>>) target(%arg13 : memref<128x256xf32, #tpu.memory_space<vmem>>) offsets(%dma_start3A_44 : memref<128xi32, #tpu.memory_space<vmem>>) semaphore(%arg17 : memref<!tpu.dma_semaphore, #tpu.memory_space<semaphore_mem>>)
    %dma_start3A_48 = arith.constant 128 : i32
    %dma_start3A_49 = tpu.memref_slice %arg9[%dma_start3A_48] : memref<256xi32, #tpu.memory_space<vmem>> -> memref<128xi32, #tpu.memory_space<vmem>>
    %dma_start3A_50 = arith.constant 0 : i32
    %dma_start3A_51 = arith.constant 0 : i32
    %dma_start3A_52 = tpu.memref_slice %arg5[%dma_start3A_50, %dma_start3A_51] : memref<100000x128xf32, #tpu.memory_space<hbm>> -> memref<100000x128xf32, #tpu.memory_space<hbm>>
    tpu.enqueue_indirect_dma source(%dma_start3A_52 : memref<100000x128xf32, #tpu.memory_space<hbm>>) target(%arg15 : memref<128x128xf32, #tpu.memory_space<vmem>>) offsets(%dma_start3A_49 : memref<128xi32, #tpu.memory_space<vmem>>) semaphore(%arg18 : memref<!tpu.dma_semaphore, #tpu.memory_space<semaphore_mem>>)
    %dma_wait3A_53 = arith.constant 0 : i32
    %dma_wait3A_54 = tpu.memref_slice %arg11[%dma_wait3A_53] : memref<256xi32, #tpu.memory_space<vmem>> -> memref<128xi32, #tpu.memory_space<vmem>>
    %dma_wait3A_55 = arith.constant 0 : i32
    %dma_wait3A_56 = arith.constant 0 : i32
    %dma_wait3A_57 = tpu.memref_slice %arg4[%dma_wait3A_55, %dma_wait3A_56] : memref<80000x256xf32, #tpu.memory_space<hbm>> -> memref<80000x256xf32, #tpu.memory_space<hbm>>
    tpu.wait_indirect_dma semaphore(%arg17 : memref<!tpu.dma_semaphore, #tpu.memory_space<semaphore_mem>>) src(%dma_wait3A_57 : memref<80000x256xf32, #tpu.memory_space<hbm>>) dst(%arg12 : memref<128x256xf32, #tpu.memory_space<vmem>>)
    %dma_wait3A_58 = arith.constant 0 : i32
    %dma_wait3A_59 = tpu.memref_slice %arg9[%dma_wait3A_58] : memref<256xi32, #tpu.memory_space<vmem>> -> memref<128xi32, #tpu.memory_space<vmem>>
    %dma_wait3A_60 = arith.constant 0 : i32
    %dma_wait3A_61 = arith.constant 0 : i32
    %dma_wait3A_62 = tpu.memref_slice %arg5[%dma_wait3A_60, %dma_wait3A_61] : memref<100000x128xf32, #tpu.memory_space<hbm>> -> memref<100000x128xf32, #tpu.memory_space<hbm>>
    tpu.wait_indirect_dma semaphore(%arg18 : memref<!tpu.dma_semaphore, #tpu.memory_space<semaphore_mem>>) src(%dma_wait3A_62 : memref<100000x128xf32, #tpu.memory_space<hbm>>) dst(%arg14 : memref<128x128xf32, #tpu.memory_space<vmem>>)
    %add3A_63 = arith.constant 0 : i32
    %add3A_64 = arith.addi %mul3A_2, %add3A_63 : i32
    %dma_start3A_65 = arith.constant 0 : i32
    %dma_start3A_66 = tpu.memref_slice %arg6[%add3A_64, %dma_start3A_65] : memref<8192x256xf32, #tpu.memory_space<hbm>> -> memref<128x256xf32, #tpu.memory_space<hbm>>
    %dma_start3A_67 = arith.constant 0 : i32
    %dma_start3A_68 = tpu.memref_slice %arg6[%add3A_64, %dma_start3A_67] : memref<8192x256xf32, #tpu.memory_space<hbm>> -> memref<128x256xf32, #tpu.memory_space<hbm>>
    tpu.enqueue_dma source(%arg12 : memref<128x256xf32, #tpu.memory_space<vmem>>) target(%dma_start3A_68 : memref<128x256xf32, #tpu.memory_space<hbm>>) target_semaphore(%arg19 : memref<!tpu.dma_semaphore, #tpu.memory_space<semaphore_mem>>)
    %dma_start3A_69 = arith.constant 0 : i32
    %dma_start3A_70 = tpu.memref_slice %arg7[%add3A_64, %dma_start3A_69] : memref<8192x128xf32, #tpu.memory_space<hbm>> -> memref<128x128xf32, #tpu.memory_space<hbm>>
    %dma_start3A_71 = arith.constant 0 : i32
    %dma_start3A_72 = tpu.memref_slice %arg7[%add3A_64, %dma_start3A_71] : memref<8192x128xf32, #tpu.memory_space<hbm>> -> memref<128x128xf32, #tpu.memory_space<hbm>>
    tpu.enqueue_dma source(%arg14 : memref<128x128xf32, #tpu.memory_space<vmem>>) target(%dma_start3A_72 : memref<128x128xf32, #tpu.memory_space<hbm>>) target_semaphore(%arg20 : memref<!tpu.dma_semaphore, #tpu.memory_space<semaphore_mem>>)
    %dma_wait3A_73 = arith.constant 0 : i32
    %dma_wait3A_74 = tpu.memref_slice %arg6[%add3A_64, %dma_wait3A_73] : memref<8192x256xf32, #tpu.memory_space<hbm>> -> memref<128x256xf32, #tpu.memory_space<hbm>>
    %dma_wait3A_75 = arith.constant 0 : i32
    %dma_wait3A_76 = tpu.memref_slice %arg6[%add3A_64, %dma_wait3A_75] : memref<8192x256xf32, #tpu.memory_space<hbm>> -> memref<128x256xf32, #tpu.memory_space<hbm>>
    tpu.wait_dma2 semaphore(%arg19 : memref<!tpu.dma_semaphore, #tpu.memory_space<semaphore_mem>>) src(%arg12 : memref<128x256xf32, #tpu.memory_space<vmem>>) dst(%dma_wait3A_76 : memref<128x256xf32, #tpu.memory_space<hbm>>)
    %dma_wait3A_77 = arith.constant 0 : i32
    %dma_wait3A_78 = tpu.memref_slice %arg7[%add3A_64, %dma_wait3A_77] : memref<8192x128xf32, #tpu.memory_space<hbm>> -> memref<128x128xf32, #tpu.memory_space<hbm>>
    %dma_wait3A_79 = arith.constant 0 : i32
    %dma_wait3A_80 = tpu.memref_slice %arg7[%add3A_64, %dma_wait3A_79] : memref<8192x128xf32, #tpu.memory_space<hbm>> -> memref<128x128xf32, #tpu.memory_space<hbm>>
    tpu.wait_dma2 semaphore(%arg20 : memref<!tpu.dma_semaphore, #tpu.memory_space<semaphore_mem>>) src(%arg14 : memref<128x128xf32, #tpu.memory_space<vmem>>) dst(%dma_wait3A_80 : memref<128x128xf32, #tpu.memory_space<hbm>>)
    %dma_wait3A_81 = arith.constant 128 : i32
    %dma_wait3A_82 = tpu.memref_slice %arg11[%dma_wait3A_81] : memref<256xi32, #tpu.memory_space<vmem>> -> memref<128xi32, #tpu.memory_space<vmem>>
    %dma_wait3A_83 = arith.constant 0 : i32
    %dma_wait3A_84 = arith.constant 0 : i32
    %dma_wait3A_85 = tpu.memref_slice %arg4[%dma_wait3A_83, %dma_wait3A_84] : memref<80000x256xf32, #tpu.memory_space<hbm>> -> memref<80000x256xf32, #tpu.memory_space<hbm>>
    tpu.wait_indirect_dma semaphore(%arg17 : memref<!tpu.dma_semaphore, #tpu.memory_space<semaphore_mem>>) src(%dma_wait3A_85 : memref<80000x256xf32, #tpu.memory_space<hbm>>) dst(%arg13 : memref<128x256xf32, #tpu.memory_space<vmem>>)
    %dma_wait3A_86 = arith.constant 128 : i32
    %dma_wait3A_87 = tpu.memref_slice %arg9[%dma_wait3A_86] : memref<256xi32, #tpu.memory_space<vmem>> -> memref<128xi32, #tpu.memory_space<vmem>>
    %dma_wait3A_88 = arith.constant 0 : i32
    %dma_wait3A_89 = arith.constant 0 : i32
    %dma_wait3A_90 = tpu.memref_slice %arg5[%dma_wait3A_88, %dma_wait3A_89] : memref<100000x128xf32, #tpu.memory_space<hbm>> -> memref<100000x128xf32, #tpu.memory_space<hbm>>
    tpu.wait_indirect_dma semaphore(%arg18 : memref<!tpu.dma_semaphore, #tpu.memory_space<semaphore_mem>>) src(%dma_wait3A_90 : memref<100000x128xf32, #tpu.memory_space<hbm>>) dst(%arg15 : memref<128x128xf32, #tpu.memory_space<vmem>>)
    %add3A_91 = arith.constant 128 : i32
    %add3A_92 = arith.addi %mul3A_2, %add3A_91 : i32
    %dma_start3A_93 = arith.constant 0 : i32
    %dma_start3A_94 = tpu.memref_slice %arg6[%add3A_92, %dma_start3A_93] : memref<8192x256xf32, #tpu.memory_space<hbm>> -> memref<128x256xf32, #tpu.memory_space<hbm>>
    %dma_start3A_95 = arith.constant 0 : i32
    %dma_start3A_96 = tpu.memref_slice %arg6[%add3A_92, %dma_start3A_95] : memref<8192x256xf32, #tpu.memory_space<hbm>> -> memref<128x256xf32, #tpu.memory_space<hbm>>
    tpu.enqueue_dma source(%arg13 : memref<128x256xf32, #tpu.memory_space<vmem>>) target(%dma_start3A_96 : memref<128x256xf32, #tpu.memory_space<hbm>>) target_semaphore(%arg19 : memref<!tpu.dma_semaphore, #tpu.memory_space<semaphore_mem>>)
    %dma_start3A_97 = arith.constant 0 : i32
    %dma_start3A_98 = tpu.memref_slice %arg7[%add3A_92, %dma_start3A_97] : memref<8192x128xf32, #tpu.memory_space<hbm>> -> memref<128x128xf32, #tpu.memory_space<hbm>>
    %dma_start3A_99 = arith.constant 0 : i32
    %dma_start3A_100 = tpu.memref_slice %arg7[%add3A_92, %dma_start3A_99] : memref<8192x128xf32, #tpu.memory_space<hbm>> -> memref<128x128xf32, #tpu.memory_space<hbm>>
    tpu.enqueue_dma source(%arg15 : memref<128x128xf32, #tpu.memory_space<vmem>>) target(%dma_start3A_100 : memref<128x128xf32, #tpu.memory_space<hbm>>) target_semaphore(%arg20 : memref<!tpu.dma_semaphore, #tpu.memory_space<semaphore_mem>>)
    %dma_wait3A_101 = arith.constant 0 : i32
    %dma_wait3A_102 = tpu.memref_slice %arg6[%add3A_92, %dma_wait3A_101] : memref<8192x256xf32, #tpu.memory_space<hbm>> -> memref<128x256xf32, #tpu.memory_space<hbm>>
    %dma_wait3A_103 = arith.constant 0 : i32
    %dma_wait3A_104 = tpu.memref_slice %arg6[%add3A_92, %dma_wait3A_103] : memref<8192x256xf32, #tpu.memory_space<hbm>> -> memref<128x256xf32, #tpu.memory_space<hbm>>
    tpu.wait_dma2 semaphore(%arg19 : memref<!tpu.dma_semaphore, #tpu.memory_space<semaphore_mem>>) src(%arg13 : memref<128x256xf32, #tpu.memory_space<vmem>>) dst(%dma_wait3A_104 : memref<128x256xf32, #tpu.memory_space<hbm>>)
    %dma_wait3A_105 = arith.constant 0 : i32
    %dma_wait3A_106 = tpu.memref_slice %arg7[%add3A_92, %dma_wait3A_105] : memref<8192x128xf32, #tpu.memory_space<hbm>> -> memref<128x128xf32, #tpu.memory_space<hbm>>
    %dma_wait3A_107 = arith.constant 0 : i32
    %dma_wait3A_108 = tpu.memref_slice %arg7[%add3A_92, %dma_wait3A_107] : memref<8192x128xf32, #tpu.memory_space<hbm>> -> memref<128x128xf32, #tpu.memory_space<hbm>>
    tpu.wait_dma2 semaphore(%arg20 : memref<!tpu.dma_semaphore, #tpu.memory_space<semaphore_mem>>) src(%arg15 : memref<128x128xf32, #tpu.memory_space<vmem>>) dst(%dma_wait3A_108 : memref<128x128xf32, #tpu.memory_space<hbm>>)
    %dma_wait3A_109 = tpu.memref_slice %arg8[%mul3A_2] : memref<8192xi32, #tpu.memory_space<hbm>> -> memref<256xi32, #tpu.memory_space<hbm>>
    %dma_wait3A_110 = tpu.memref_slice %arg8[%mul3A_2] : memref<8192xi32, #tpu.memory_space<hbm>> -> memref<256xi32, #tpu.memory_space<hbm>>
    tpu.wait_dma2 semaphore(%arg16 : memref<!tpu.dma_semaphore, #tpu.memory_space<semaphore_mem>>) src(%arg10 : memref<256xi32, #tpu.memory_space<vmem>>) dst(%dma_wait3A_110 : memref<256xi32, #tpu.memory_space<hbm>>)
    return
  }
}

module attributes {stable_mosaic.version = 14 : i64} {
  func.func @body(%arg0: i32, %arg1: memref<1x1x4096xi32, #tpu.memory_space<vmem>>, %arg2: memref<4096x256xf32, #tpu.memory_space<vmem>>, %arg3: memref<4096x128xf32, #tpu.memory_space<vmem>>, %arg4: memref<8x256x128xf32, #tpu.memory_space<vmem>>, %arg5: memref<8x128xf32, #tpu.memory_space<vmem>>, %arg6: memref<4096x128xf32, #tpu.memory_space<vmem>>) attributes {dimension_semantics = [#tpu.dimension_semantics<arbitrary>], iteration_bounds = array<i64: 2>, scalar_prefetch = 0 : i64, scratch_operands = 0 : i64, tpu.core_type = #tpu.core_type<tc>, window_params = [{transform_indices = @transform_0, window_bounds = array<i64: 1, 1, 4096>}, {transform_indices = @transform_1, window_bounds = array<i64: 4096, 256>}, {transform_indices = @transform_2, window_bounds = array<i64: 4096, 128>}, {pipeline_mode = #tpu.pipeline_mode<synchronous>, transform_indices = @transform_3, window_bounds = array<i64: 8, 256, 128>}, {pipeline_mode = #tpu.pipeline_mode<synchronous>, transform_indices = @transform_4, window_bounds = array<i64: 8, 128>}, {transform_indices = @transform_5, window_bounds = array<i64: 4096, 128>}]} {
    %get3A = arith.constant 0 : index
    %get3A_0 = arith.constant 0 : index
    %get3A_1 = arith.constant 0 : index
    %get3A_2 = vector.load %arg1[%get3A, %get3A_0, %get3A_1] : memref<1x1x4096xi32, #tpu.memory_space<vmem>>, vector<1x1x4096xi32>
    %get3A_3 = vector.shape_cast %get3A_2 : vector<1x1x4096xi32> to vector<1x4096xi32>
    %ge3A = arith.constant 0 : i32
    %ge3A_4 = vector.broadcast %ge3A : i32 to vector<1x4096xi32>
    %ge3A_5 = arith.cmpi sge, %get3A_3, %ge3A_4 : vector<1x4096xi32>
    %jit3A = arith.constant 10000 : i32
    %div3A = vector.broadcast %jit3A : i32 to vector<1x4096xi32>
    %div3A_6 = arith.divsi %get3A_3, %div3A : vector<1x4096xi32>
    %sign3A = arith.constant 0 : i32
    %sign3A_7 = vector.broadcast %sign3A : i32 to vector<1x4096xi32>
    %sign3A_8 = arith.cmpi sgt, %get3A_3, %sign3A_7 : vector<1x4096xi32>
    %sign3A_9 = arith.extui %sign3A_8 : vector<1x4096xi1> to vector<1x4096xi32>
    %sign3A_10 = arith.constant 0 : i32
    %sign3A_11 = vector.broadcast %sign3A_10 : i32 to vector<1x4096xi32>
    %sign3A_12 = arith.cmpi slt, %get3A_3, %sign3A_11 : vector<1x4096xi32>
    %sign3A_13 = arith.extui %sign3A_12 : vector<1x4096xi1> to vector<1x4096xi32>
    %sign3A_14 = arith.subi %sign3A_9, %sign3A_13 : vector<1x4096xi32>
    %sign3A_15 = arith.constant 0 : i32
    %sign3A_16 = arith.cmpi sgt, %jit3A, %sign3A_15 : i32
    %sign3A_17 = arith.extui %sign3A_16 : i1 to i32
    %sign3A_18 = arith.constant 0 : i32
    %sign3A_19 = arith.cmpi slt, %jit3A, %sign3A_18 : i32
    %sign3A_20 = arith.extui %sign3A_19 : i1 to i32
    %sign3A_21 = arith.subi %sign3A_17, %sign3A_20 : i32
    %ne3A = vector.broadcast %sign3A_21 : i32 to vector<1x4096xi32>
    %ne3A_22 = arith.cmpi ne, %sign3A_14, %ne3A : vector<1x4096xi32>
    %rem3A = vector.broadcast %jit3A : i32 to vector<1x4096xi32>
    %rem3A_23 = arith.remsi %get3A_3, %rem3A : vector<1x4096xi32>
    %ne3A_24 = arith.constant 0 : i32
    %ne3A_25 = vector.broadcast %ne3A_24 : i32 to vector<1x4096xi32>
    %ne3A_26 = arith.cmpi ne, %rem3A_23, %ne3A_25 : vector<1x4096xi32>
    %and3A = arith.andi %ne3A_22, %ne3A_26 : vector<1x4096xi1>
    %sub3A = arith.constant 1 : i32
    %sub3A_27 = vector.broadcast %sub3A : i32 to vector<1x4096xi32>
    %sub3A_28 = arith.subi %div3A_6, %sub3A_27 : vector<1x4096xi32>
    %select_n3A = arith.select %and3A, %sub3A_28, %div3A_6 : vector<1x4096xi1>, vector<1x4096xi32>
    %jit3A_29 = arith.constant 8 : i32
    %broadcast_in_dim3A = vector.broadcast %jit3A_29 : i32 to vector<1x4096xi32>
    %select_n3A_30 = arith.select %ge3A_5, %select_n3A, %broadcast_in_dim3A : vector<1x4096xi1>, vector<1x4096xi32>
    %reshape3A = vector.shape_cast %select_n3A_30 : vector<1x4096xi32> to vector<4096x1xi32>
    %convert_element_type3A = arith.trunci %reshape3A : vector<4096x1xi32> to vector<4096x1xi16>
    %broadcast_in_dim3A_31 = arith.constant 0 : i16
    %broadcast_in_dim3A_32 = vector.broadcast %broadcast_in_dim3A_31 : i16 to vector<4096x128xi16>
    %add3A = vector.broadcast %convert_element_type3A : vector<4096x1xi16> to vector<4096x128xi16>
    %add3A_33 = arith.addi %add3A, %broadcast_in_dim3A_32 : vector<4096x128xi16>
    %get3A_34 = arith.constant 0 : index
    %get3A_35 = arith.constant 0 : index
    %get3A_36 = vector.load %arg2[%get3A_34, %get3A_35] : memref<4096x256xf32, #tpu.memory_space<vmem>>, vector<4096x256xf32>
    %convert_element_type3A_37 = arith.truncf %get3A_36 : vector<4096x256xf32> to vector<4096x256xbf16>
    %get3A_38 = arith.constant 0 : index
    %get3A_39 = arith.constant 0 : index
    %get3A_40 = vector.load %arg3[%get3A_38, %get3A_39] : memref<4096x128xf32, #tpu.memory_space<vmem>>, vector<4096x128xf32>
    %convert_element_type3A_41 = arith.truncf %get3A_40 : vector<4096x128xf32> to vector<4096x128xbf16>
    %get3A_42 = arith.constant 0 : index
    %get3A_43 = arith.constant 0 : index
    %get3A_44 = arith.constant 0 : index
    %get3A_45 = vector.load %arg4[%get3A_42, %get3A_43, %get3A_44] : memref<8x256x128xf32, #tpu.memory_space<vmem>>, vector<1x256x128xf32>
    %get3A_46 = vector.shape_cast %get3A_45 : vector<1x256x128xf32> to vector<256x128xf32>
    %convert_element_type3A_47 = arith.truncf %get3A_46 : vector<256x128xf32> to vector<256x128xbf16>
    %dot_general3A = arith.constant dense<0.000000e+00> : vector<4096x128xf32>
    %dot_general3A_48 = tpu.matmul %convert_element_type3A_37, %convert_element_type3A_47, %dot_general3A {dimension_numbers = #tpu.dot_dimension_numbers<[1], [0], [0], [1], [0, 0, 1, 1], [], []>, transpose_lhs_hint = false} : vector<4096x256xbf16>, vector<256x128xbf16>, vector<4096x128xf32> -> vector<4096x128xf32>
    %convert_element_type3A_49 = arith.truncf %dot_general3A_48 : vector<4096x128xf32> to vector<4096x128xbf16>
    %get3A_50 = arith.constant 0 : index
    %get3A_51 = arith.constant 0 : index
    %get3A_52 = vector.load %arg5[%get3A_50, %get3A_51] : memref<8x128xf32, #tpu.memory_space<vmem>>, vector<1x128xf32>
    %get3A_53 = vector.shape_cast %get3A_52 : vector<1x128xf32> to vector<128xf32>
    %convert_element_type3A_54 = arith.truncf %get3A_53 : vector<128xf32> to vector<128xbf16>
    %broadcast_in_dim3A_55 = vector.shape_cast %convert_element_type3A_54 : vector<128xbf16> to vector<1x128xbf16>
    %add3A_56 = vector.broadcast %broadcast_in_dim3A_55 : vector<1x128xbf16> to vector<4096x128xbf16>
    %add3A_57 = arith.addf %convert_element_type3A_49, %add3A_56 : vector<4096x128xbf16>
    %eq3A = arith.constant 0 : i16
    %eq3A_58 = vector.broadcast %eq3A : i16 to vector<4096x128xi16>
    %eq3A_59 = arith.cmpi eq, %add3A_33, %eq3A_58 : vector<4096x128xi16>
    %select_n3A_60 = arith.select %eq3A_59, %add3A_57, %convert_element_type3A_41 : vector<4096x128xi1>, vector<4096x128xbf16>
    %get3A_61 = arith.constant 1 : index
    %get3A_62 = arith.constant 0 : index
    %get3A_63 = arith.constant 0 : index
    %get3A_64 = vector.load %arg4[%get3A_61, %get3A_62, %get3A_63] : memref<8x256x128xf32, #tpu.memory_space<vmem>>, vector<1x256x128xf32>
    %get3A_65 = vector.shape_cast %get3A_64 : vector<1x256x128xf32> to vector<256x128xf32>
    %convert_element_type3A_66 = arith.truncf %get3A_65 : vector<256x128xf32> to vector<256x128xbf16>
    %dot_general3A_67 = arith.constant dense<0.000000e+00> : vector<4096x128xf32>
    %dot_general3A_68 = tpu.matmul %convert_element_type3A_37, %convert_element_type3A_66, %dot_general3A_67 {dimension_numbers = #tpu.dot_dimension_numbers<[1], [0], [0], [1], [0, 0, 1, 1], [], []>, transpose_lhs_hint = false} : vector<4096x256xbf16>, vector<256x128xbf16>, vector<4096x128xf32> -> vector<4096x128xf32>
    %convert_element_type3A_69 = arith.truncf %dot_general3A_68 : vector<4096x128xf32> to vector<4096x128xbf16>
    %get3A_70 = arith.constant 1 : index
    %get3A_71 = arith.constant 0 : index
    %get3A_72 = vector.load %arg5[%get3A_70, %get3A_71] : memref<8x128xf32, #tpu.memory_space<vmem>>, vector<1x128xf32>
    %get3A_73 = vector.shape_cast %get3A_72 : vector<1x128xf32> to vector<128xf32>
    %convert_element_type3A_74 = arith.truncf %get3A_73 : vector<128xf32> to vector<128xbf16>
    %broadcast_in_dim3A_75 = vector.shape_cast %convert_element_type3A_74 : vector<128xbf16> to vector<1x128xbf16>
    %add3A_76 = vector.broadcast %broadcast_in_dim3A_75 : vector<1x128xbf16> to vector<4096x128xbf16>
    %add3A_77 = arith.addf %convert_element_type3A_69, %add3A_76 : vector<4096x128xbf16>
    %eq3A_78 = arith.constant 1 : i16
    %eq3A_79 = vector.broadcast %eq3A_78 : i16 to vector<4096x128xi16>
    %eq3A_80 = arith.cmpi eq, %add3A_33, %eq3A_79 : vector<4096x128xi16>
    %select_n3A_81 = arith.select %eq3A_80, %add3A_77, %select_n3A_60 : vector<4096x128xi1>, vector<4096x128xbf16>
    %get3A_82 = arith.constant 2 : index
    %get3A_83 = arith.constant 0 : index
    %get3A_84 = arith.constant 0 : index
    %get3A_85 = vector.load %arg4[%get3A_82, %get3A_83, %get3A_84] : memref<8x256x128xf32, #tpu.memory_space<vmem>>, vector<1x256x128xf32>
    %get3A_86 = vector.shape_cast %get3A_85 : vector<1x256x128xf32> to vector<256x128xf32>
    %convert_element_type3A_87 = arith.truncf %get3A_86 : vector<256x128xf32> to vector<256x128xbf16>
    %dot_general3A_88 = arith.constant dense<0.000000e+00> : vector<4096x128xf32>
    %dot_general3A_89 = tpu.matmul %convert_element_type3A_37, %convert_element_type3A_87, %dot_general3A_88 {dimension_numbers = #tpu.dot_dimension_numbers<[1], [0], [0], [1], [0, 0, 1, 1], [], []>, transpose_lhs_hint = false} : vector<4096x256xbf16>, vector<256x128xbf16>, vector<4096x128xf32> -> vector<4096x128xf32>
    %convert_element_type3A_90 = arith.truncf %dot_general3A_89 : vector<4096x128xf32> to vector<4096x128xbf16>
    %get3A_91 = arith.constant 2 : index
    %get3A_92 = arith.constant 0 : index
    %get3A_93 = vector.load %arg5[%get3A_91, %get3A_92] : memref<8x128xf32, #tpu.memory_space<vmem>>, vector<1x128xf32>
    %get3A_94 = vector.shape_cast %get3A_93 : vector<1x128xf32> to vector<128xf32>
    %convert_element_type3A_95 = arith.truncf %get3A_94 : vector<128xf32> to vector<128xbf16>
    %broadcast_in_dim3A_96 = vector.shape_cast %convert_element_type3A_95 : vector<128xbf16> to vector<1x128xbf16>
    %add3A_97 = vector.broadcast %broadcast_in_dim3A_96 : vector<1x128xbf16> to vector<4096x128xbf16>
    %add3A_98 = arith.addf %convert_element_type3A_90, %add3A_97 : vector<4096x128xbf16>
    %eq3A_99 = arith.constant 2 : i16
    %eq3A_100 = vector.broadcast %eq3A_99 : i16 to vector<4096x128xi16>
    %eq3A_101 = arith.cmpi eq, %add3A_33, %eq3A_100 : vector<4096x128xi16>
    %select_n3A_102 = arith.select %eq3A_101, %add3A_98, %select_n3A_81 : vector<4096x128xi1>, vector<4096x128xbf16>
    %get3A_103 = arith.constant 3 : index
    %get3A_104 = arith.constant 0 : index
    %get3A_105 = arith.constant 0 : index
    %get3A_106 = vector.load %arg4[%get3A_103, %get3A_104, %get3A_105] : memref<8x256x128xf32, #tpu.memory_space<vmem>>, vector<1x256x128xf32>
    %get3A_107 = vector.shape_cast %get3A_106 : vector<1x256x128xf32> to vector<256x128xf32>
    %convert_element_type3A_108 = arith.truncf %get3A_107 : vector<256x128xf32> to vector<256x128xbf16>
    %dot_general3A_109 = arith.constant dense<0.000000e+00> : vector<4096x128xf32>
    %dot_general3A_110 = tpu.matmul %convert_element_type3A_37, %convert_element_type3A_108, %dot_general3A_109 {dimension_numbers = #tpu.dot_dimension_numbers<[1], [0], [0], [1], [0, 0, 1, 1], [], []>, transpose_lhs_hint = false} : vector<4096x256xbf16>, vector<256x128xbf16>, vector<4096x128xf32> -> vector<4096x128xf32>
    %convert_element_type3A_111 = arith.truncf %dot_general3A_110 : vector<4096x128xf32> to vector<4096x128xbf16>
    %get3A_112 = arith.constant 3 : index
    %get3A_113 = arith.constant 0 : index
    %get3A_114 = vector.load %arg5[%get3A_112, %get3A_113] : memref<8x128xf32, #tpu.memory_space<vmem>>, vector<1x128xf32>
    %get3A_115 = vector.shape_cast %get3A_114 : vector<1x128xf32> to vector<128xf32>
    %convert_element_type3A_116 = arith.truncf %get3A_115 : vector<128xf32> to vector<128xbf16>
    %broadcast_in_dim3A_117 = vector.shape_cast %convert_element_type3A_116 : vector<128xbf16> to vector<1x128xbf16>
    %add3A_118 = vector.broadcast %broadcast_in_dim3A_117 : vector<1x128xbf16> to vector<4096x128xbf16>
    %add3A_119 = arith.addf %convert_element_type3A_111, %add3A_118 : vector<4096x128xbf16>
    %eq3A_120 = arith.constant 3 : i16
    %eq3A_121 = vector.broadcast %eq3A_120 : i16 to vector<4096x128xi16>
    %eq3A_122 = arith.cmpi eq, %add3A_33, %eq3A_121 : vector<4096x128xi16>
    %select_n3A_123 = arith.select %eq3A_122, %add3A_119, %select_n3A_102 : vector<4096x128xi1>, vector<4096x128xbf16>
    %get3A_124 = arith.constant 4 : index
    %get3A_125 = arith.constant 0 : index
    %get3A_126 = arith.constant 0 : index
    %get3A_127 = vector.load %arg4[%get3A_124, %get3A_125, %get3A_126] : memref<8x256x128xf32, #tpu.memory_space<vmem>>, vector<1x256x128xf32>
    %get3A_128 = vector.shape_cast %get3A_127 : vector<1x256x128xf32> to vector<256x128xf32>
    %convert_element_type3A_129 = arith.truncf %get3A_128 : vector<256x128xf32> to vector<256x128xbf16>
    %dot_general3A_130 = arith.constant dense<0.000000e+00> : vector<4096x128xf32>
    %dot_general3A_131 = tpu.matmul %convert_element_type3A_37, %convert_element_type3A_129, %dot_general3A_130 {dimension_numbers = #tpu.dot_dimension_numbers<[1], [0], [0], [1], [0, 0, 1, 1], [], []>, transpose_lhs_hint = false} : vector<4096x256xbf16>, vector<256x128xbf16>, vector<4096x128xf32> -> vector<4096x128xf32>
    %convert_element_type3A_132 = arith.truncf %dot_general3A_131 : vector<4096x128xf32> to vector<4096x128xbf16>
    %get3A_133 = arith.constant 4 : index
    %get3A_134 = arith.constant 0 : index
    %get3A_135 = vector.load %arg5[%get3A_133, %get3A_134] : memref<8x128xf32, #tpu.memory_space<vmem>>, vector<1x128xf32>
    %get3A_136 = vector.shape_cast %get3A_135 : vector<1x128xf32> to vector<128xf32>
    %convert_element_type3A_137 = arith.truncf %get3A_136 : vector<128xf32> to vector<128xbf16>
    %broadcast_in_dim3A_138 = vector.shape_cast %convert_element_type3A_137 : vector<128xbf16> to vector<1x128xbf16>
    %add3A_139 = vector.broadcast %broadcast_in_dim3A_138 : vector<1x128xbf16> to vector<4096x128xbf16>
    %add3A_140 = arith.addf %convert_element_type3A_132, %add3A_139 : vector<4096x128xbf16>
    %eq3A_141 = arith.constant 4 : i16
    %eq3A_142 = vector.broadcast %eq3A_141 : i16 to vector<4096x128xi16>
    %eq3A_143 = arith.cmpi eq, %add3A_33, %eq3A_142 : vector<4096x128xi16>
    %select_n3A_144 = arith.select %eq3A_143, %add3A_140, %select_n3A_123 : vector<4096x128xi1>, vector<4096x128xbf16>
    %get3A_145 = arith.constant 5 : index
    %get3A_146 = arith.constant 0 : index
    %get3A_147 = arith.constant 0 : index
    %get3A_148 = vector.load %arg4[%get3A_145, %get3A_146, %get3A_147] : memref<8x256x128xf32, #tpu.memory_space<vmem>>, vector<1x256x128xf32>
    %get3A_149 = vector.shape_cast %get3A_148 : vector<1x256x128xf32> to vector<256x128xf32>
    %convert_element_type3A_150 = arith.truncf %get3A_149 : vector<256x128xf32> to vector<256x128xbf16>
    %dot_general3A_151 = arith.constant dense<0.000000e+00> : vector<4096x128xf32>
    %dot_general3A_152 = tpu.matmul %convert_element_type3A_37, %convert_element_type3A_150, %dot_general3A_151 {dimension_numbers = #tpu.dot_dimension_numbers<[1], [0], [0], [1], [0, 0, 1, 1], [], []>, transpose_lhs_hint = false} : vector<4096x256xbf16>, vector<256x128xbf16>, vector<4096x128xf32> -> vector<4096x128xf32>
    %convert_element_type3A_153 = arith.truncf %dot_general3A_152 : vector<4096x128xf32> to vector<4096x128xbf16>
    %get3A_154 = arith.constant 5 : index
    %get3A_155 = arith.constant 0 : index
    %get3A_156 = vector.load %arg5[%get3A_154, %get3A_155] : memref<8x128xf32, #tpu.memory_space<vmem>>, vector<1x128xf32>
    %get3A_157 = vector.shape_cast %get3A_156 : vector<1x128xf32> to vector<128xf32>
    %convert_element_type3A_158 = arith.truncf %get3A_157 : vector<128xf32> to vector<128xbf16>
    %broadcast_in_dim3A_159 = vector.shape_cast %convert_element_type3A_158 : vector<128xbf16> to vector<1x128xbf16>
    %add3A_160 = vector.broadcast %broadcast_in_dim3A_159 : vector<1x128xbf16> to vector<4096x128xbf16>
    %add3A_161 = arith.addf %convert_element_type3A_153, %add3A_160 : vector<4096x128xbf16>
    %eq3A_162 = arith.constant 5 : i16
    %eq3A_163 = vector.broadcast %eq3A_162 : i16 to vector<4096x128xi16>
    %eq3A_164 = arith.cmpi eq, %add3A_33, %eq3A_163 : vector<4096x128xi16>
    %select_n3A_165 = arith.select %eq3A_164, %add3A_161, %select_n3A_144 : vector<4096x128xi1>, vector<4096x128xbf16>
    %get3A_166 = arith.constant 6 : index
    %get3A_167 = arith.constant 0 : index
    %get3A_168 = arith.constant 0 : index
    %get3A_169 = vector.load %arg4[%get3A_166, %get3A_167, %get3A_168] : memref<8x256x128xf32, #tpu.memory_space<vmem>>, vector<1x256x128xf32>
    %get3A_170 = vector.shape_cast %get3A_169 : vector<1x256x128xf32> to vector<256x128xf32>
    %convert_element_type3A_171 = arith.truncf %get3A_170 : vector<256x128xf32> to vector<256x128xbf16>
    %dot_general3A_172 = arith.constant dense<0.000000e+00> : vector<4096x128xf32>
    %dot_general3A_173 = tpu.matmul %convert_element_type3A_37, %convert_element_type3A_171, %dot_general3A_172 {dimension_numbers = #tpu.dot_dimension_numbers<[1], [0], [0], [1], [0, 0, 1, 1], [], []>, transpose_lhs_hint = false} : vector<4096x256xbf16>, vector<256x128xbf16>, vector<4096x128xf32> -> vector<4096x128xf32>
    %convert_element_type3A_174 = arith.truncf %dot_general3A_173 : vector<4096x128xf32> to vector<4096x128xbf16>
    %get3A_175 = arith.constant 6 : index
    %get3A_176 = arith.constant 0 : index
    %get3A_177 = vector.load %arg5[%get3A_175, %get3A_176] : memref<8x128xf32, #tpu.memory_space<vmem>>, vector<1x128xf32>
    %get3A_178 = vector.shape_cast %get3A_177 : vector<1x128xf32> to vector<128xf32>
    %convert_element_type3A_179 = arith.truncf %get3A_178 : vector<128xf32> to vector<128xbf16>
    %broadcast_in_dim3A_180 = vector.shape_cast %convert_element_type3A_179 : vector<128xbf16> to vector<1x128xbf16>
    %add3A_181 = vector.broadcast %broadcast_in_dim3A_180 : vector<1x128xbf16> to vector<4096x128xbf16>
    %add3A_182 = arith.addf %convert_element_type3A_174, %add3A_181 : vector<4096x128xbf16>
    %eq3A_183 = arith.constant 6 : i16
    %eq3A_184 = vector.broadcast %eq3A_183 : i16 to vector<4096x128xi16>
    %eq3A_185 = arith.cmpi eq, %add3A_33, %eq3A_184 : vector<4096x128xi16>
    %select_n3A_186 = arith.select %eq3A_185, %add3A_182, %select_n3A_165 : vector<4096x128xi1>, vector<4096x128xbf16>
    %get3A_187 = arith.constant 7 : index
    %get3A_188 = arith.constant 0 : index
    %get3A_189 = arith.constant 0 : index
    %get3A_190 = vector.load %arg4[%get3A_187, %get3A_188, %get3A_189] : memref<8x256x128xf32, #tpu.memory_space<vmem>>, vector<1x256x128xf32>
    %get3A_191 = vector.shape_cast %get3A_190 : vector<1x256x128xf32> to vector<256x128xf32>
    %convert_element_type3A_192 = arith.truncf %get3A_191 : vector<256x128xf32> to vector<256x128xbf16>
    %dot_general3A_193 = arith.constant dense<0.000000e+00> : vector<4096x128xf32>
    %dot_general3A_194 = tpu.matmul %convert_element_type3A_37, %convert_element_type3A_192, %dot_general3A_193 {dimension_numbers = #tpu.dot_dimension_numbers<[1], [0], [0], [1], [0, 0, 1, 1], [], []>, transpose_lhs_hint = false} : vector<4096x256xbf16>, vector<256x128xbf16>, vector<4096x128xf32> -> vector<4096x128xf32>
    %convert_element_type3A_195 = arith.truncf %dot_general3A_194 : vector<4096x128xf32> to vector<4096x128xbf16>
    %get3A_196 = arith.constant 7 : index
    %get3A_197 = arith.constant 0 : index
    %get3A_198 = vector.load %arg5[%get3A_196, %get3A_197] : memref<8x128xf32, #tpu.memory_space<vmem>>, vector<1x128xf32>
    %get3A_199 = vector.shape_cast %get3A_198 : vector<1x128xf32> to vector<128xf32>
    %convert_element_type3A_200 = arith.truncf %get3A_199 : vector<128xf32> to vector<128xbf16>
    %broadcast_in_dim3A_201 = vector.shape_cast %convert_element_type3A_200 : vector<128xbf16> to vector<1x128xbf16>
    %add3A_202 = vector.broadcast %broadcast_in_dim3A_201 : vector<1x128xbf16> to vector<4096x128xbf16>
    %add3A_203 = arith.addf %convert_element_type3A_195, %add3A_202 : vector<4096x128xbf16>
    %eq3A_204 = arith.constant 7 : i16
    %eq3A_205 = vector.broadcast %eq3A_204 : i16 to vector<4096x128xi16>
    %eq3A_206 = arith.cmpi eq, %add3A_33, %eq3A_205 : vector<4096x128xi16>
    %select_n3A_207 = arith.select %eq3A_206, %add3A_203, %select_n3A_186 : vector<4096x128xi1>, vector<4096x128xbf16>
    %convert_element_type3A_208 = arith.extf %select_n3A_207 : vector<4096x128xbf16> to vector<4096x128xf32>
    %swap3A = arith.constant 0 : index
    %swap3A_209 = arith.constant 0 : index
    %swap3A_210 = vector.load %arg6[%swap3A, %swap3A_209] : memref<4096x128xf32, #tpu.memory_space<vmem>>, vector<4096x128xf32>
    tpu.vector_store %arg6[%swap3A, %swap3A_209], %convert_element_type3A_208 {strides = array<i32>} : memref<4096x128xf32, #tpu.memory_space<vmem>>, vector<4096x128xf32>,
    return
  }
  func.func @transform_0(%arg0: i32) -> (i32, i32, i32) {
    %c0_i32 = arith.constant 0 : i32
    %c0_i32_0 = arith.constant 0 : i32
    %c0_i32_1 = arith.constant 0 : i32
    return %arg0, %c0_i32, %c0_i32_0 : i32, i32, i32
  }
  func.func @transform_1(%arg0: i32) -> (i32, i32) {
    %c0_i32 = arith.constant 0 : i32
    %c0_i32_0 = arith.constant 0 : i32
    return %arg0, %c0_i32 : i32, i32
  }
  func.func @transform_2(%arg0: i32) -> (i32, i32) {
    %c0_i32 = arith.constant 0 : i32
    %c0_i32_0 = arith.constant 0 : i32
    return %arg0, %c0_i32 : i32, i32
  }
  func.func @transform_3(%arg0: i32) -> (i32, i32, i32) {
    %c0_i32 = arith.constant 0 : i32
    %c0_i32_0 = arith.constant 0 : i32
    %c0_i32_1 = arith.constant 0 : i32
    %c0_i32_2 = arith.constant 0 : i32
    return %c0_i32, %c0_i32_0, %c0_i32_1 : i32, i32, i32
  }
  func.func @transform_4(%arg0: i32) -> (i32, i32) {
    %c0_i32 = arith.constant 0 : i32
    %c0_i32_0 = arith.constant 0 : i32
    %c0_i32_1 = arith.constant 0 : i32
    return %c0_i32, %c0_i32_0 : i32, i32
  }
  func.func @transform_5(%arg0: i32) -> (i32, i32) {
    %add3A = arith.constant 0 : i32
    %add3A_0 = arith.addi %arg0, %add3A : i32
    %c0_i32 = arith.constant 0 : i32
    %c0_i32_1 = arith.constant 0 : i32
    return %add3A_0, %c0_i32 : i32, i32
  }
}

module attributes {stable_mosaic.version = 14 : i64} {
  func.func @body_alias(%arg0: i32, %arg1: memref<1x1x4096xi32, #tpu.memory_space<vmem>>, %arg2: memref<4096x256xf32, #tpu.memory_space<vmem>>, %arg3: memref<4096x128xf32, #tpu.memory_space<vmem>>, %arg4: memref<8x256x128xf32, #tpu.memory_space<vmem>>, %arg5: memref<8x128xf32, #tpu.memory_space<vmem>>, %arg6: memref<16384x128xf32, #tpu.memory_space<any>>, %arg7: memref<4096x128xf32, #tpu.memory_space<vmem>>) attributes {dimension_semantics = [#tpu.dimension_semantics<arbitrary>], iteration_bounds = array<i64: 2>, scalar_prefetch = 0 : i64, scratch_operands = 0 : i64, tpu.core_type = #tpu.core_type<tc>, window_params = [{transform_indices = @transform_0, window_bounds = array<i64: 1, 1, 4096>}, {transform_indices = @transform_1, window_bounds = array<i64: 4096, 256>}, {transform_indices = @transform_2, window_bounds = array<i64: 4096, 128>}, {pipeline_mode = #tpu.pipeline_mode<synchronous>, transform_indices = @transform_3, window_bounds = array<i64: 8, 256, 128>}, {pipeline_mode = #tpu.pipeline_mode<synchronous>, transform_indices = @transform_4, window_bounds = array<i64: 8, 128>}, {}, {transform_indices = @transform_6, window_bounds = array<i64: 4096, 128>}]} {
    %get3A = arith.constant 0 : index
    %get3A_0 = arith.constant 0 : index
    %get3A_1 = arith.constant 0 : index
    %get3A_2 = vector.load %arg1[%get3A, %get3A_0, %get3A_1] : memref<1x1x4096xi32, #tpu.memory_space<vmem>>, vector<1x1x4096xi32>
    %get3A_3 = vector.shape_cast %get3A_2 : vector<1x1x4096xi32> to vector<1x4096xi32>
    %ge3A = arith.constant 0 : i32
    %ge3A_4 = vector.broadcast %ge3A : i32 to vector<1x4096xi32>
    %ge3A_5 = arith.cmpi sge, %get3A_3, %ge3A_4 : vector<1x4096xi32>
    %jit3A = arith.constant 10000 : i32
    %div3A = vector.broadcast %jit3A : i32 to vector<1x4096xi32>
    %div3A_6 = arith.divsi %get3A_3, %div3A : vector<1x4096xi32>
    %sign3A = arith.constant 0 : i32
    %sign3A_7 = vector.broadcast %sign3A : i32 to vector<1x4096xi32>
    %sign3A_8 = arith.cmpi sgt, %get3A_3, %sign3A_7 : vector<1x4096xi32>
    %sign3A_9 = arith.extui %sign3A_8 : vector<1x4096xi1> to vector<1x4096xi32>
    %sign3A_10 = arith.constant 0 : i32
    %sign3A_11 = vector.broadcast %sign3A_10 : i32 to vector<1x4096xi32>
    %sign3A_12 = arith.cmpi slt, %get3A_3, %sign3A_11 : vector<1x4096xi32>
    %sign3A_13 = arith.extui %sign3A_12 : vector<1x4096xi1> to vector<1x4096xi32>
    %sign3A_14 = arith.subi %sign3A_9, %sign3A_13 : vector<1x4096xi32>
    %sign3A_15 = arith.constant 0 : i32
    %sign3A_16 = arith.cmpi sgt, %jit3A, %sign3A_15 : i32
    %sign3A_17 = arith.extui %sign3A_16 : i1 to i32
    %sign3A_18 = arith.constant 0 : i32
    %sign3A_19 = arith.cmpi slt, %jit3A, %sign3A_18 : i32
    %sign3A_20 = arith.extui %sign3A_19 : i1 to i32
    %sign3A_21 = arith.subi %sign3A_17, %sign3A_20 : i32
    %ne3A = vector.broadcast %sign3A_21 : i32 to vector<1x4096xi32>
    %ne3A_22 = arith.cmpi ne, %sign3A_14, %ne3A : vector<1x4096xi32>
    %rem3A = vector.broadcast %jit3A : i32 to vector<1x4096xi32>
    %rem3A_23 = arith.remsi %get3A_3, %rem3A : vector<1x4096xi32>
    %ne3A_24 = arith.constant 0 : i32
    %ne3A_25 = vector.broadcast %ne3A_24 : i32 to vector<1x4096xi32>
    %ne3A_26 = arith.cmpi ne, %rem3A_23, %ne3A_25 : vector<1x4096xi32>
    %and3A = arith.andi %ne3A_22, %ne3A_26 : vector<1x4096xi1>
    %sub3A = arith.constant 1 : i32
    %sub3A_27 = vector.broadcast %sub3A : i32 to vector<1x4096xi32>
    %sub3A_28 = arith.subi %div3A_6, %sub3A_27 : vector<1x4096xi32>
    %select_n3A = arith.select %and3A, %sub3A_28, %div3A_6 : vector<1x4096xi1>, vector<1x4096xi32>
    %jit3A_29 = arith.constant 8 : i32
    %broadcast_in_dim3A = vector.broadcast %jit3A_29 : i32 to vector<1x4096xi32>
    %select_n3A_30 = arith.select %ge3A_5, %select_n3A, %broadcast_in_dim3A : vector<1x4096xi1>, vector<1x4096xi32>
    %reshape3A = vector.shape_cast %select_n3A_30 : vector<1x4096xi32> to vector<4096x1xi32>
    %convert_element_type3A = arith.trunci %reshape3A : vector<4096x1xi32> to vector<4096x1xi16>
    %broadcast_in_dim3A_31 = arith.constant 0 : i16
    %broadcast_in_dim3A_32 = vector.broadcast %broadcast_in_dim3A_31 : i16 to vector<4096x128xi16>
    %add3A = vector.broadcast %convert_element_type3A : vector<4096x1xi16> to vector<4096x128xi16>
    %add3A_33 = arith.addi %add3A, %broadcast_in_dim3A_32 : vector<4096x128xi16>
    %get3A_34 = arith.constant 0 : index
    %get3A_35 = arith.constant 0 : index
    %get3A_36 = vector.load %arg2[%get3A_34, %get3A_35] : memref<4096x256xf32, #tpu.memory_space<vmem>>, vector<4096x256xf32>
    %convert_element_type3A_37 = arith.truncf %get3A_36 : vector<4096x256xf32> to vector<4096x256xbf16>
    %get3A_38 = arith.constant 0 : index
    %get3A_39 = arith.constant 0 : index
    %get3A_40 = vector.load %arg3[%get3A_38, %get3A_39] : memref<4096x128xf32, #tpu.memory_space<vmem>>, vector<4096x128xf32>
    %convert_element_type3A_41 = arith.truncf %get3A_40 : vector<4096x128xf32> to vector<4096x128xbf16>
    %get3A_42 = arith.constant 0 : index
    %get3A_43 = arith.constant 0 : index
    %get3A_44 = arith.constant 0 : index
    %get3A_45 = vector.load %arg4[%get3A_42, %get3A_43, %get3A_44] : memref<8x256x128xf32, #tpu.memory_space<vmem>>, vector<1x256x128xf32>
    %get3A_46 = vector.shape_cast %get3A_45 : vector<1x256x128xf32> to vector<256x128xf32>
    %convert_element_type3A_47 = arith.truncf %get3A_46 : vector<256x128xf32> to vector<256x128xbf16>
    %dot_general3A = arith.constant dense<0.000000e+00> : vector<4096x128xf32>
    %dot_general3A_48 = tpu.matmul %convert_element_type3A_37, %convert_element_type3A_47, %dot_general3A {dimension_numbers = #tpu.dot_dimension_numbers<[1], [0], [0], [1], [0, 0, 1, 1], [], []>, transpose_lhs_hint = false} : vector<4096x256xbf16>, vector<256x128xbf16>, vector<4096x128xf32> -> vector<4096x128xf32>
    %convert_element_type3A_49 = arith.truncf %dot_general3A_48 : vector<4096x128xf32> to vector<4096x128xbf16>
    %get3A_50 = arith.constant 0 : index
    %get3A_51 = arith.constant 0 : index
    %get3A_52 = vector.load %arg5[%get3A_50, %get3A_51] : memref<8x128xf32, #tpu.memory_space<vmem>>, vector<1x128xf32>
    %get3A_53 = vector.shape_cast %get3A_52 : vector<1x128xf32> to vector<128xf32>
    %convert_element_type3A_54 = arith.truncf %get3A_53 : vector<128xf32> to vector<128xbf16>
    %broadcast_in_dim3A_55 = vector.shape_cast %convert_element_type3A_54 : vector<128xbf16> to vector<1x128xbf16>
    %add3A_56 = vector.broadcast %broadcast_in_dim3A_55 : vector<1x128xbf16> to vector<4096x128xbf16>
    %add3A_57 = arith.addf %convert_element_type3A_49, %add3A_56 : vector<4096x128xbf16>
    %eq3A = arith.constant 0 : i16
    %eq3A_58 = vector.broadcast %eq3A : i16 to vector<4096x128xi16>
    %eq3A_59 = arith.cmpi eq, %add3A_33, %eq3A_58 : vector<4096x128xi16>
    %select_n3A_60 = arith.select %eq3A_59, %add3A_57, %convert_element_type3A_41 : vector<4096x128xi1>, vector<4096x128xbf16>
    %get3A_61 = arith.constant 1 : index
    %get3A_62 = arith.constant 0 : index
    %get3A_63 = arith.constant 0 : index
    %get3A_64 = vector.load %arg4[%get3A_61, %get3A_62, %get3A_63] : memref<8x256x128xf32, #tpu.memory_space<vmem>>, vector<1x256x128xf32>
    %get3A_65 = vector.shape_cast %get3A_64 : vector<1x256x128xf32> to vector<256x128xf32>
    %convert_element_type3A_66 = arith.truncf %get3A_65 : vector<256x128xf32> to vector<256x128xbf16>
    %dot_general3A_67 = arith.constant dense<0.000000e+00> : vector<4096x128xf32>
    %dot_general3A_68 = tpu.matmul %convert_element_type3A_37, %convert_element_type3A_66, %dot_general3A_67 {dimension_numbers = #tpu.dot_dimension_numbers<[1], [0], [0], [1], [0, 0, 1, 1], [], []>, transpose_lhs_hint = false} : vector<4096x256xbf16>, vector<256x128xbf16>, vector<4096x128xf32> -> vector<4096x128xf32>
    %convert_element_type3A_69 = arith.truncf %dot_general3A_68 : vector<4096x128xf32> to vector<4096x128xbf16>
    %get3A_70 = arith.constant 1 : index
    %get3A_71 = arith.constant 0 : index
    %get3A_72 = vector.load %arg5[%get3A_70, %get3A_71] : memref<8x128xf32, #tpu.memory_space<vmem>>, vector<1x128xf32>
    %get3A_73 = vector.shape_cast %get3A_72 : vector<1x128xf32> to vector<128xf32>
    %convert_element_type3A_74 = arith.truncf %get3A_73 : vector<128xf32> to vector<128xbf16>
    %broadcast_in_dim3A_75 = vector.shape_cast %convert_element_type3A_74 : vector<128xbf16> to vector<1x128xbf16>
    %add3A_76 = vector.broadcast %broadcast_in_dim3A_75 : vector<1x128xbf16> to vector<4096x128xbf16>
    %add3A_77 = arith.addf %convert_element_type3A_69, %add3A_76 : vector<4096x128xbf16>
    %eq3A_78 = arith.constant 1 : i16
    %eq3A_79 = vector.broadcast %eq3A_78 : i16 to vector<4096x128xi16>
    %eq3A_80 = arith.cmpi eq, %add3A_33, %eq3A_79 : vector<4096x128xi16>
    %select_n3A_81 = arith.select %eq3A_80, %add3A_77, %select_n3A_60 : vector<4096x128xi1>, vector<4096x128xbf16>
    %get3A_82 = arith.constant 2 : index
    %get3A_83 = arith.constant 0 : index
    %get3A_84 = arith.constant 0 : index
    %get3A_85 = vector.load %arg4[%get3A_82, %get3A_83, %get3A_84] : memref<8x256x128xf32, #tpu.memory_space<vmem>>, vector<1x256x128xf32>
    %get3A_86 = vector.shape_cast %get3A_85 : vector<1x256x128xf32> to vector<256x128xf32>
    %convert_element_type3A_87 = arith.truncf %get3A_86 : vector<256x128xf32> to vector<256x128xbf16>
    %dot_general3A_88 = arith.constant dense<0.000000e+00> : vector<4096x128xf32>
    %dot_general3A_89 = tpu.matmul %convert_element_type3A_37, %convert_element_type3A_87, %dot_general3A_88 {dimension_numbers = #tpu.dot_dimension_numbers<[1], [0], [0], [1], [0, 0, 1, 1], [], []>, transpose_lhs_hint = false} : vector<4096x256xbf16>, vector<256x128xbf16>, vector<4096x128xf32> -> vector<4096x128xf32>
    %convert_element_type3A_90 = arith.truncf %dot_general3A_89 : vector<4096x128xf32> to vector<4096x128xbf16>
    %get3A_91 = arith.constant 2 : index
    %get3A_92 = arith.constant 0 : index
    %get3A_93 = vector.load %arg5[%get3A_91, %get3A_92] : memref<8x128xf32, #tpu.memory_space<vmem>>, vector<1x128xf32>
    %get3A_94 = vector.shape_cast %get3A_93 : vector<1x128xf32> to vector<128xf32>
    %convert_element_type3A_95 = arith.truncf %get3A_94 : vector<128xf32> to vector<128xbf16>
    %broadcast_in_dim3A_96 = vector.shape_cast %convert_element_type3A_95 : vector<128xbf16> to vector<1x128xbf16>
    %add3A_97 = vector.broadcast %broadcast_in_dim3A_96 : vector<1x128xbf16> to vector<4096x128xbf16>
    %add3A_98 = arith.addf %convert_element_type3A_90, %add3A_97 : vector<4096x128xbf16>
    %eq3A_99 = arith.constant 2 : i16
    %eq3A_100 = vector.broadcast %eq3A_99 : i16 to vector<4096x128xi16>
    %eq3A_101 = arith.cmpi eq, %add3A_33, %eq3A_100 : vector<4096x128xi16>
    %select_n3A_102 = arith.select %eq3A_101, %add3A_98, %select_n3A_81 : vector<4096x128xi1>, vector<4096x128xbf16>
    %get3A_103 = arith.constant 3 : index
    %get3A_104 = arith.constant 0 : index
    %get3A_105 = arith.constant 0 : index
    %get3A_106 = vector.load %arg4[%get3A_103, %get3A_104, %get3A_105] : memref<8x256x128xf32, #tpu.memory_space<vmem>>, vector<1x256x128xf32>
    %get3A_107 = vector.shape_cast %get3A_106 : vector<1x256x128xf32> to vector<256x128xf32>
    %convert_element_type3A_108 = arith.truncf %get3A_107 : vector<256x128xf32> to vector<256x128xbf16>
    %dot_general3A_109 = arith.constant dense<0.000000e+00> : vector<4096x128xf32>
    %dot_general3A_110 = tpu.matmul %convert_element_type3A_37, %convert_element_type3A_108, %dot_general3A_109 {dimension_numbers = #tpu.dot_dimension_numbers<[1], [0], [0], [1], [0, 0, 1, 1], [], []>, transpose_lhs_hint = false} : vector<4096x256xbf16>, vector<256x128xbf16>, vector<4096x128xf32> -> vector<4096x128xf32>
    %convert_element_type3A_111 = arith.truncf %dot_general3A_110 : vector<4096x128xf32> to vector<4096x128xbf16>
    %get3A_112 = arith.constant 3 : index
    %get3A_113 = arith.constant 0 : index
    %get3A_114 = vector.load %arg5[%get3A_112, %get3A_113] : memref<8x128xf32, #tpu.memory_space<vmem>>, vector<1x128xf32>
    %get3A_115 = vector.shape_cast %get3A_114 : vector<1x128xf32> to vector<128xf32>
    %convert_element_type3A_116 = arith.truncf %get3A_115 : vector<128xf32> to vector<128xbf16>
    %broadcast_in_dim3A_117 = vector.shape_cast %convert_element_type3A_116 : vector<128xbf16> to vector<1x128xbf16>
    %add3A_118 = vector.broadcast %broadcast_in_dim3A_117 : vector<1x128xbf16> to vector<4096x128xbf16>
    %add3A_119 = arith.addf %convert_element_type3A_111, %add3A_118 : vector<4096x128xbf16>
    %eq3A_120 = arith.constant 3 : i16
    %eq3A_121 = vector.broadcast %eq3A_120 : i16 to vector<4096x128xi16>
    %eq3A_122 = arith.cmpi eq, %add3A_33, %eq3A_121 : vector<4096x128xi16>
    %select_n3A_123 = arith.select %eq3A_122, %add3A_119, %select_n3A_102 : vector<4096x128xi1>, vector<4096x128xbf16>
    %get3A_124 = arith.constant 4 : index
    %get3A_125 = arith.constant 0 : index
    %get3A_126 = arith.constant 0 : index
    %get3A_127 = vector.load %arg4[%get3A_124, %get3A_125, %get3A_126] : memref<8x256x128xf32, #tpu.memory_space<vmem>>, vector<1x256x128xf32>
    %get3A_128 = vector.shape_cast %get3A_127 : vector<1x256x128xf32> to vector<256x128xf32>
    %convert_element_type3A_129 = arith.truncf %get3A_128 : vector<256x128xf32> to vector<256x128xbf16>
    %dot_general3A_130 = arith.constant dense<0.000000e+00> : vector<4096x128xf32>
    %dot_general3A_131 = tpu.matmul %convert_element_type3A_37, %convert_element_type3A_129, %dot_general3A_130 {dimension_numbers = #tpu.dot_dimension_numbers<[1], [0], [0], [1], [0, 0, 1, 1], [], []>, transpose_lhs_hint = false} : vector<4096x256xbf16>, vector<256x128xbf16>, vector<4096x128xf32> -> vector<4096x128xf32>
    %convert_element_type3A_132 = arith.truncf %dot_general3A_131 : vector<4096x128xf32> to vector<4096x128xbf16>
    %get3A_133 = arith.constant 4 : index
    %get3A_134 = arith.constant 0 : index
    %get3A_135 = vector.load %arg5[%get3A_133, %get3A_134] : memref<8x128xf32, #tpu.memory_space<vmem>>, vector<1x128xf32>
    %get3A_136 = vector.shape_cast %get3A_135 : vector<1x128xf32> to vector<128xf32>
    %convert_element_type3A_137 = arith.truncf %get3A_136 : vector<128xf32> to vector<128xbf16>
    %broadcast_in_dim3A_138 = vector.shape_cast %convert_element_type3A_137 : vector<128xbf16> to vector<1x128xbf16>
    %add3A_139 = vector.broadcast %broadcast_in_dim3A_138 : vector<1x128xbf16> to vector<4096x128xbf16>
    %add3A_140 = arith.addf %convert_element_type3A_132, %add3A_139 : vector<4096x128xbf16>
    %eq3A_141 = arith.constant 4 : i16
    %eq3A_142 = vector.broadcast %eq3A_141 : i16 to vector<4096x128xi16>
    %eq3A_143 = arith.cmpi eq, %add3A_33, %eq3A_142 : vector<4096x128xi16>
    %select_n3A_144 = arith.select %eq3A_143, %add3A_140, %select_n3A_123 : vector<4096x128xi1>, vector<4096x128xbf16>
    %get3A_145 = arith.constant 5 : index
    %get3A_146 = arith.constant 0 : index
    %get3A_147 = arith.constant 0 : index
    %get3A_148 = vector.load %arg4[%get3A_145, %get3A_146, %get3A_147] : memref<8x256x128xf32, #tpu.memory_space<vmem>>, vector<1x256x128xf32>
    %get3A_149 = vector.shape_cast %get3A_148 : vector<1x256x128xf32> to vector<256x128xf32>
    %convert_element_type3A_150 = arith.truncf %get3A_149 : vector<256x128xf32> to vector<256x128xbf16>
    %dot_general3A_151 = arith.constant dense<0.000000e+00> : vector<4096x128xf32>
    %dot_general3A_152 = tpu.matmul %convert_element_type3A_37, %convert_element_type3A_150, %dot_general3A_151 {dimension_numbers = #tpu.dot_dimension_numbers<[1], [0], [0], [1], [0, 0, 1, 1], [], []>, transpose_lhs_hint = false} : vector<4096x256xbf16>, vector<256x128xbf16>, vector<4096x128xf32> -> vector<4096x128xf32>
    %convert_element_type3A_153 = arith.truncf %dot_general3A_152 : vector<4096x128xf32> to vector<4096x128xbf16>
    %get3A_154 = arith.constant 5 : index
    %get3A_155 = arith.constant 0 : index
    %get3A_156 = vector.load %arg5[%get3A_154, %get3A_155] : memref<8x128xf32, #tpu.memory_space<vmem>>, vector<1x128xf32>
    %get3A_157 = vector.shape_cast %get3A_156 : vector<1x128xf32> to vector<128xf32>
    %convert_element_type3A_158 = arith.truncf %get3A_157 : vector<128xf32> to vector<128xbf16>
    %broadcast_in_dim3A_159 = vector.shape_cast %convert_element_type3A_158 : vector<128xbf16> to vector<1x128xbf16>
    %add3A_160 = vector.broadcast %broadcast_in_dim3A_159 : vector<1x128xbf16> to vector<4096x128xbf16>
    %add3A_161 = arith.addf %convert_element_type3A_153, %add3A_160 : vector<4096x128xbf16>
    %eq3A_162 = arith.constant 5 : i16
    %eq3A_163 = vector.broadcast %eq3A_162 : i16 to vector<4096x128xi16>
    %eq3A_164 = arith.cmpi eq, %add3A_33, %eq3A_163 : vector<4096x128xi16>
    %select_n3A_165 = arith.select %eq3A_164, %add3A_161, %select_n3A_144 : vector<4096x128xi1>, vector<4096x128xbf16>
    %get3A_166 = arith.constant 6 : index
    %get3A_167 = arith.constant 0 : index
    %get3A_168 = arith.constant 0 : index
    %get3A_169 = vector.load %arg4[%get3A_166, %get3A_167, %get3A_168] : memref<8x256x128xf32, #tpu.memory_space<vmem>>, vector<1x256x128xf32>
    %get3A_170 = vector.shape_cast %get3A_169 : vector<1x256x128xf32> to vector<256x128xf32>
    %convert_element_type3A_171 = arith.truncf %get3A_170 : vector<256x128xf32> to vector<256x128xbf16>
    %dot_general3A_172 = arith.constant dense<0.000000e+00> : vector<4096x128xf32>
    %dot_general3A_173 = tpu.matmul %convert_element_type3A_37, %convert_element_type3A_171, %dot_general3A_172 {dimension_numbers = #tpu.dot_dimension_numbers<[1], [0], [0], [1], [0, 0, 1, 1], [], []>, transpose_lhs_hint = false} : vector<4096x256xbf16>, vector<256x128xbf16>, vector<4096x128xf32> -> vector<4096x128xf32>
    %convert_element_type3A_174 = arith.truncf %dot_general3A_173 : vector<4096x128xf32> to vector<4096x128xbf16>
    %get3A_175 = arith.constant 6 : index
    %get3A_176 = arith.constant 0 : index
    %get3A_177 = vector.load %arg5[%get3A_175, %get3A_176] : memref<8x128xf32, #tpu.memory_space<vmem>>, vector<1x128xf32>
    %get3A_178 = vector.shape_cast %get3A_177 : vector<1x128xf32> to vector<128xf32>
    %convert_element_type3A_179 = arith.truncf %get3A_178 : vector<128xf32> to vector<128xbf16>
    %broadcast_in_dim3A_180 = vector.shape_cast %convert_element_type3A_179 : vector<128xbf16> to vector<1x128xbf16>
    %add3A_181 = vector.broadcast %broadcast_in_dim3A_180 : vector<1x128xbf16> to vector<4096x128xbf16>
    %add3A_182 = arith.addf %convert_element_type3A_174, %add3A_181 : vector<4096x128xbf16>
    %eq3A_183 = arith.constant 6 : i16
    %eq3A_184 = vector.broadcast %eq3A_183 : i16 to vector<4096x128xi16>
    %eq3A_185 = arith.cmpi eq, %add3A_33, %eq3A_184 : vector<4096x128xi16>
    %select_n3A_186 = arith.select %eq3A_185, %add3A_182, %select_n3A_165 : vector<4096x128xi1>, vector<4096x128xbf16>
    %get3A_187 = arith.constant 7 : index
    %get3A_188 = arith.constant 0 : index
    %get3A_189 = arith.constant 0 : index
    %get3A_190 = vector.load %arg4[%get3A_187, %get3A_188, %get3A_189] : memref<8x256x128xf32, #tpu.memory_space<vmem>>, vector<1x256x128xf32>
    %get3A_191 = vector.shape_cast %get3A_190 : vector<1x256x128xf32> to vector<256x128xf32>
    %convert_element_type3A_192 = arith.truncf %get3A_191 : vector<256x128xf32> to vector<256x128xbf16>
    %dot_general3A_193 = arith.constant dense<0.000000e+00> : vector<4096x128xf32>
    %dot_general3A_194 = tpu.matmul %convert_element_type3A_37, %convert_element_type3A_192, %dot_general3A_193 {dimension_numbers = #tpu.dot_dimension_numbers<[1], [0], [0], [1], [0, 0, 1, 1], [], []>, transpose_lhs_hint = false} : vector<4096x256xbf16>, vector<256x128xbf16>, vector<4096x128xf32> -> vector<4096x128xf32>
    %convert_element_type3A_195 = arith.truncf %dot_general3A_194 : vector<4096x128xf32> to vector<4096x128xbf16>
    %get3A_196 = arith.constant 7 : index
    %get3A_197 = arith.constant 0 : index
    %get3A_198 = vector.load %arg5[%get3A_196, %get3A_197] : memref<8x128xf32, #tpu.memory_space<vmem>>, vector<1x128xf32>
    %get3A_199 = vector.shape_cast %get3A_198 : vector<1x128xf32> to vector<128xf32>
    %convert_element_type3A_200 = arith.truncf %get3A_199 : vector<128xf32> to vector<128xbf16>
    %broadcast_in_dim3A_201 = vector.shape_cast %convert_element_type3A_200 : vector<128xbf16> to vector<1x128xbf16>
    %add3A_202 = vector.broadcast %broadcast_in_dim3A_201 : vector<1x128xbf16> to vector<4096x128xbf16>
    %add3A_203 = arith.addf %convert_element_type3A_195, %add3A_202 : vector<4096x128xbf16>
    %eq3A_204 = arith.constant 7 : i16
    %eq3A_205 = vector.broadcast %eq3A_204 : i16 to vector<4096x128xi16>
    %eq3A_206 = arith.cmpi eq, %add3A_33, %eq3A_205 : vector<4096x128xi16>
    %select_n3A_207 = arith.select %eq3A_206, %add3A_203, %select_n3A_186 : vector<4096x128xi1>, vector<4096x128xbf16>
    %convert_element_type3A_208 = arith.extf %select_n3A_207 : vector<4096x128xbf16> to vector<4096x128xf32>
    %swap3A = arith.constant 0 : index
    %swap3A_209 = arith.constant 0 : index
    %swap3A_210 = vector.load %arg7[%swap3A, %swap3A_209] : memref<4096x128xf32, #tpu.memory_space<vmem>>, vector<4096x128xf32>
    tpu.vector_store %arg7[%swap3A, %swap3A_209], %convert_element_type3A_208 {strides = array<i32>} : memref<4096x128xf32, #tpu.memory_space<vmem>>, vector<4096x128xf32>,
    return
  }
  func.func @transform_0(%arg0: i32) -> (i32, i32, i32) {
    %c0_i32 = arith.constant 0 : i32
    %c0_i32_0 = arith.constant 0 : i32
    %c0_i32_1 = arith.constant 0 : i32
    return %arg0, %c0_i32, %c0_i32_0 : i32, i32, i32
  }
  func.func @transform_1(%arg0: i32) -> (i32, i32) {
    %c0_i32 = arith.constant 0 : i32
    %c0_i32_0 = arith.constant 0 : i32
    return %arg0, %c0_i32 : i32, i32
  }
  func.func @transform_2(%arg0: i32) -> (i32, i32) {
    %c0_i32 = arith.constant 0 : i32
    %c0_i32_0 = arith.constant 0 : i32
    return %arg0, %c0_i32 : i32, i32
  }
  func.func @transform_3(%arg0: i32) -> (i32, i32, i32) {
    %c0_i32 = arith.constant 0 : i32
    %c0_i32_0 = arith.constant 0 : i32
    %c0_i32_1 = arith.constant 0 : i32
    %c0_i32_2 = arith.constant 0 : i32
    return %c0_i32, %c0_i32_0, %c0_i32_1 : i32, i32, i32
  }
  func.func @transform_4(%arg0: i32) -> (i32, i32) {
    %c0_i32 = arith.constant 0 : i32
    %c0_i32_0 = arith.constant 0 : i32
    %c0_i32_1 = arith.constant 0 : i32
    return %c0_i32, %c0_i32_0 : i32, i32
  }
  func.func @transform_6(%arg0: i32) -> (i32, i32) {
    %add3A = arith.constant 2 : i32
    %add3A_0 = arith.addi %arg0, %add3A : i32
    %c0_i32 = arith.constant 0 : i32
    %c0_i32_1 = arith.constant 0 : i32
    return %add3A_0, %c0_i32 : i32, i32
  }
}

</mosaic_0001>

<sc_bundles>
// kernel: kernel.6.cloned.1.call-start
scs
__scs_entry_jumppad:
0x0: {  	(pc) =	sbr.rel $0x88, $3  }
0x1: {  	(tag) =	ssettag $0x0;
	lr =	simm.s32 $0x1  }
0x2: {  	[smem:$0x3F9A] =	sst lr;
	_ =	strace $0xD0000000  }
0x3: {  	_ = 	snop  }
0x4: {  	_ = 	snop  }
0x5: {  	_ = 	snop  }
0x6: {  	_ = 	snop  }
0x7: {  	_ = 	snop  }
__scs_overlays_trampoline_lowered:
0x8: {  	[smem:$0x3FA9] =	sst s0  }
0x9: {  	[smem:$0x3FAA] =	sst s1  }
0xa: {  	[smem:$0x3FAB] =	sst s2  }
0xb: {  	[smem:$0x3FAC] =	sst s3  }
0xc: {  	[smem:$0x3FAD] =	sst s4  }
0xd: {  	[smem:$0x3FAE] =	sst s5  }
0xe: {  	[smem:$0x3FAF] =	sst s6  }
0xf: {  	[smem:$0x3FB0] =	sst s7  }
0x10: {  	[smem:$0x3FB1] =	sst s8  }
0x11: {  	[smem:$0x3FB2] =	sst s9;
	s0 =	simm.s32 @!p0 $0x0  }
0x12: {  	s1 =	sld [smem:$0x3F98];
	s0 =	simm.s32 @p0 $0x1  }
0x13: {  	[smem:$0x3FB3] =	sst s0;
	s0 =	simm.s32 @!p1 $0x0  }
0x14: {  	s2 =	sld [smem:$0x3F97];
	s0 =	simm.s32 @p1 $0x1  }
0x15: {  	[smem:$0x3FB4] =	sst s0;
	s0 =	simm.s32 @!p2 $0x0  }
0x16: {  	s3 =	sld [smem:$0x3FDB];
	s0 =	simm.s32 @p2 $0x1  }
0x17: {  	s4 =	simm.s32 $0x1BF5;
	[smem:$0x3FB6] =	sst s0  }
0x18: {  	s0 =	sld [smem:$0x3F99];
	_ =	swait.ge [sflag:s4], $0x0  }
0x19: {  	s7 =	sld [smem:$0x3F9A]  }
0x1a: {  	s8 =	sadd.s32 $0xFFFFE003, lr  }
0x1b: {  	s9 =	sadd.s32 $0xFFFFFEF7, lr;
	s5 =	simm.s32 $0xFFFFFFFF;
	p2 =	slt.u32 s8, $0xFFFFF086  }
0x1c: {  	p1 =	slt.u32 s9, $0xF7A;
	s5 =	simm.s32 @!p2 $0x0  }
0x1d: {  	s5 =	simm.s32 @p1 $0x1;
	p0 =	seq.s32 s7, s2  }
0x1e: {  	s7 =	smul.u32 @!p0 $0xF7A, s2;
	p2 =	seq.s32 @!p0 s5, $0x0  }
0x1f: {  	s9 =	smul.u32 $0xF7A, s1;
	s8 =	simm.s32 @!p0 $0x1BF5;
	p2 =	por !p2, p0  }
0x20: {  	[sflag:s8] =	ssyncset.s32 @!p0 $0xFFFFF086;
	s6 =	sadd.s32 @!p0 s3, s7;
	s7 =	simm.s32 @!p0 $0x108  }
0x21: {  	s3 =	sadd.s32 s3, s9;
	s6 =	sadd.s32 @!p0 $0x88, s6;
	s7 =	simm.s32 @p2 $0x1082  }
0x22: {  	[simem:s7], [sflag:s8] =	dma.local @!p0 [hbm:s6], $0xF7A  }
0x23: {  	s9 =	sor.u32 $0xD0000000, s2;
	s6 =	simm.s32 $0x108;
	_ =	swait.ge @!p0 [sflag:s8], $0x0  }
0x24: {  	s3 =	sadd.s32 $0x88, s3;
	s6 =	simm.s32 @!p1 $0x1082;
	[sflag:s4] =	ssyncset.s32 $0xFFFFF086  }
0x25: {  	[simem:s6], [sflag:s4] =	dma.local [hbm:s3], $0xF7A  }
0x26: {  	[smem:$0x3F9A] =	sst s1;
	(tag) =	ssettag s2;
	_ =	strace s9  }
0x27: {  	s1 =	sld [smem:$0x3FAA]  }
0x28: {  	s2 =	sld [smem:$0x3FAB]  }
0x29: {  	s4 =	sld [smem:$0x3FAD]  }
0x2a: {  	p0 =	seq.s32 s5, $0x0;
	s5 =	sld [smem:$0x3FAE]  }
0x2b: {  	s6 =	sld [smem:$0x3FAF]  }
0x2c: {  	s7 =	sld [smem:$0x3FB0]  }
0x2d: {  	s3 =	simm.s32 $0x108;
	s8 =	sld [smem:$0x3FB1]  }
0x2e: {  	s3 =	simm.s32 @!p0 $0x1082;
	s9 =	sld [smem:$0x3FB2]  }
0x2f: {  	lr =	sadd.s32 s0, s3;
	s0 =	sld [smem:$0x3FA9]  }
0x30: {  	s3 =	sld [smem:$0x3FAC]  }
0x31: {  	[smem:$0x3FB5] =	sst s10  }
0x32: {  	s10 =	sld [smem:$0x3FB3];
	_ =	sdelay $0x3  }
0x33: {  	p0 =	seq.s32 s10, $0x1;
	s10 =	sld [smem:$0x3FB5];
	_ =	sdelay $0x3  }
0x34: {  	[smem:$0x3FB5] =	sst s10  }
0x35: {  	s10 =	sld [smem:$0x3FB4];
	_ =	sdelay $0x3  }
0x36: {  	p1 =	seq.s32 s10, $0x1;
	s10 =	sld [smem:$0x3FB5];
	_ =	sdelay $0x3  }
0x37: {  	[smem:$0x3FB5] =	sst s10  }
0x38: {  	s10 =	sld [smem:$0x3FB6]  }
0x39: {  	_ = 	snop;
	(pc) =	sbr.ind lr, $3  }
0x3a: {  	_ = 	snop  }
0x3b: {  	_ = 	snop  }
0x3c: {  	p2 =	seq.s32 s10, $0x1;
	s10 =	sld [smem:$0x3FB5]  }
0x3d: {  	_ =	shalt  }
0x3e: {  	_ =	shalt  }
0x3f: {  	_ =	shalt  }
0x40: {  	_ =	shalt  }
0x41: {  	_ =	shalt  }
0x42: {  	_ =	shalt  }
0x43: {  	_ =	shalt  }
0x44: {  	_ =	shalt  }
0x45: {  	_ =	shalt  }
0x46: {  	_ =	shalt  }
0x47: {  	_ =	shalt  }
0x48: {  	_ =	shalt  }
0x49: {  	_ =	shalt  }
0x4a: {  	_ =	shalt  }
0x4b: {  	_ =	shalt  }
0x4c: {  	_ =	shalt  }
0x4d: {  	_ =	shalt  }
0x4e: {  	_ =	shalt  }
0x4f: {  	_ =	shalt  }
0x50: {  	_ =	shalt  }
0x51: {  	_ =	shalt  }
0x52: {  	_ =	shalt  }
0x53: {  	_ =	shalt  }
0x54: {  	_ =	shalt  }
0x55: {  	_ =	shalt  }
0x56: {  	_ =	shalt  }
0x57: {  	_ =	shalt  }
0x58: {  	_ =	shalt  }
0x59: {  	_ =	shalt  }
0x5a: {  	_ =	shalt  }
0x5b: {  	_ =	shalt  }
0x5c: {  	_ =	shalt  }
0x5d: {  	_ =	shalt  }
0x5e: {  	_ =	shalt  }
0x5f: {  	_ =	shalt  }
0x60: {  	_ =	shalt  }
0x61: {  	_ =	shalt  }
0x62: {  	_ =	shalt  }
0x63: {  	_ =	shalt  }
0x64: {  	_ =	shalt  }
0x65: {  	_ =	shalt  }
0x66: {  	_ =	shalt  }
0x67: {  	_ =	shalt  }
0x68: {  	_ =	shalt  }
0x69: {  	_ =	shalt  }
0x6a: {  	_ =	shalt  }
0x6b: {  	_ =	shalt  }
0x6c: {  	_ =	shalt  }
0x6d: {  	_ =	shalt  }
0x6e: {  	_ =	shalt  }
0x6f: {  	_ =	shalt  }
0x70: {  	_ =	shalt  }
0x71: {  	_ =	shalt  }
0x72: {  	_ =	shalt  }
0x73: {  	_ =	shalt  }
0x74: {  	_ =	shalt  }
0x75: {  	_ =	shalt  }
0x76: {  	_ =	shalt  }
0x77: {  	_ =	shalt  }
0x78: {  	_ =	shalt  }
0x79: {  	_ =	shalt  }
0x7a: {  	_ =	shalt  }
0x7b: {  	_ =	shalt  }
0x7c: {  	_ =	shalt  }
0x7d: {  	_ =	shalt  }
0x7e: {  	_ =	shalt  }
0x7f: {  	_ =	shalt  }
0x80: {  	_ =	shalt  }
0x81: {  	_ =	shalt  }
0x82: {  	_ =	shalt  }
0x83: {  	_ =	shalt  }
0x84: {  	_ =	shalt  }
0x85: {  	_ =	shalt  }
0x86: {  	_ =	shalt  }
0x87: {  	_ =	shalt  }
.Lfunc_end0:
.L_simem_size_0:
called_computation_lowered:
.L_overlay_start_0:
0x88: {  	s2 =	sld [smem:$0x3FD9]  }
0x89: {  	s3 =	sld [smem:$0x3FFE];
	_ =	sdelay $0x1  }
0x8a: {  	s1 =	srdreg.scid  }
0x8b: {  	s0 =	sand.u32 $0x1, s1  }
0x8c: {  	s17 =	sshll.u32 s0, $0xA;
	s2 =	sadd.s32 s3, s2  }
0x8d: {  	s2 =	sadd.s32 s2, s17  }
0x8e: {  	[smem:$0x3FC1] =	sst s2  }
0x8f: {  	_ = 	snop  }
0x90: {  	s2 =	sld [smem:$0x3FC9]  }
0x91: {  	s18 =	sld [smem:$0x3FC6]  }
0x92: {  	s4 =	sld [smem:$0x3FC3]  }
0x93: {  	s5 =	sld [smem:$0x3FD0];
	(tm) =	ssettm $0x1  }
0x94: {  	s6 =	sld [smem:$0x3FFB];
	_ =	sdelay $0x3  }
0x95: {  	_ =	strace s6  }
0x96: {  	s6 =	sld [smem:$0x3FFC];
	_ =	sdelay $0x3  }
0x97: {  	_ =	strace s6  }
0x98: {  	s6 =	sld [smem:$0x3FFD];
	_ =	sdelay $0x3  }
0x99: {  	_ =	strace s6  }
0x9a: {  	_ =	strace $0x8FFFFFFF  }
0x9b: {  	s19 =	sld [smem:$0x3FDB];
	_ =	sdelay $0x1  }
0x9c: {  	s7 =	simm.s32 $_scs_section_size  }
0x9d: {  	s8 =	simm.s32 $_size__tile_overlayer_lowered;
	s9 =	simm.s32 $_tile_overlayer_lowered  }
0x9e: {  	s22 =	simm.s32 $0x1BFF;
	s21 =	sshll.u32 s9, $0x1;
	s6 =	sadd.s32 s7, s19  }
0x9f: {  	s10 =	simm.s32 $0x0;
	s20 =	sshll.u32 s8, $0x1;
	s8 =	sadd.s32 s21, s6  }
0xa0: {  	[timem:s10], [sflag:s22] =	dma.local [hbm:s8], s20  }
0xa1: {  	_ =	swait.ge [sflag:s22], s20  }
0xa2: {  	s7 =	ssub.s32 $0x0, s20;
	[sflag:s22] =	ssyncset.done $0x0  }
0xa3: {  	[sflag:s22] =	ssyncadd.s32 s7;
	_ =	sdelay $0x1  }
0xa4: {  	s23 =	simm.s32 $0x1B8B  }
0xa5: {  	_ =	swait.ge [sflag:s23], $0x1  }
0xa6: {  	[sflag:s23] =	ssyncset.done $0x0  }
0xa7: {  	s25 =	simm.s32 $0x1B8E;
	s24 =	sld [smem:$0x3FFE];
	[sflag:s23] =	ssyncadd.s32 $0xFFFFFFFF  }
0xa8: {  	s26 =	simm.s32 $execute0_lowered;
	[smem:$0x3FD2] =	sst s25  }
0xa9: {  	s8 =	sshll.u32 s26, $0x1;
	_ =	strace $0x80000046;
	[dreg:$0x1] =	wrdreg $0xFFFFFFFF  }
0xaa: {  	s28 =	simm.s32 $_size_execute0_lowered;
	s6 =	sadd.s32 s6, s8;
	[dreg:$0x0] =	wrdreg $0x0  }
0xab: {  	s8 =	sshll.u32 s28, $0x1;
	[dreg:$0x2] =	wrdreg s6  }
0xac: {  	[dreg:$0x3] =	wrdreg s8  }
0xad: {  	[dreg:$0x4] =	wrdreg $0xC0  }
0xae: {  	_ =	task [dreg:s10], $0x5FFFF  }
0xaf: {  	[dreg:$0x1] =	wrdreg $0xFFFFFFFF  }
0xb0: {  	[dreg:$0x0] =	wrdreg $0x60  }
0xb1: {  	[dreg:$0x2] =	wrdreg s24  }
0xb2: {  	[dreg:$0x3] =	wrdreg s2  }
0xb3: {  	[dreg:$0x4] =	wrdreg s18  }
0xb4: {  	[dreg:$0x5] =	wrdreg s4  }
0xb5: {  	[dreg:$0x6] =	wrdreg s5  }
0xb6: {  	[dreg:$0x7] =	wrdreg $0x9  }
0xb7: {  	_ =	task.clear_ibuf [dreg:s10], $0x8FFFF;
	_ =	strace $0x90000046  }
0xb8: {  	s29 =	simm.s32 $0x9;
	_ =	strace $0x80000048  }
0xb9: {  	_ =	swait.ge [sflag:s29], $0x1  }
0xba: {  	[sflag:s29] =	ssyncadd.s32 $0xFFFFFFFF  }
0xbb: {  	_ =	strace $0x90000048  }
0xbc: {  	_ =	sfence  }
0xbd: {  	s30 =	sld [smem:$0x0];
	_ =	sdelay $0x2  }
0xbe: {  	s31 =	sshll.u32 s1, $0xD;
	s1 =	sshrl.u32 s1, $0x2  }
0xbf: {  	s3 =	sand.u32 $0x4000, s31;
	s1 =	sadd.s32 s1, s30  }
0xc0: {  	s0 =	sor.u32 s3, s0;
	s1 =	sshll.u32 s1, $0x11  }
0xc1: {  	s0 =	sor.u32 s1, s0  }
0xc2: {  	s0 =	sadd.s32 $0x8F2B, s0  }
0xc3: {  	[sflag:s0] =	ssyncadd.remote.s32 $0x1  }
0xc4: {  	_ =	sfence.sel $0xFFFF  }
0xc5: {  	[dreg:$0x0] =	wrdreg $0xFFFFFFFF;
	(pc) =	sbr.abs _section_cstart, $3  }
0xc6: {  	[dreg:$0x1] =	wrdreg $0xFFFFFFFF  }
0xc7: {  	_ =	task.clear_ibuf [dreg:s10], $0x2FFFF;
	_ =	strace $0x9FFFFFFF  }
0xc8: {  	(tm) =	ssettm $0x7FFFFFFF  }
0xc9: {  	_ =	shalt  }
tec
execute0_lowered:
.L_overlay_start_1:
0x0: {  	(tag) =	ssettag $0x1  }
0x1: {  	s0 =	rddreg [dreg:$0x0]  }
0x2: {  	s3 =	rddreg [dreg:$0x1]  }
0x3: {  	s1 =	rddreg [dreg:$0x2]  }
0x4: {  	s2 =	rddreg [dreg:$0x3]  }
0x5: {  	s5 =	rddreg [dreg:$0x4];
	s6 =	srdreg.scid  }
0x6: {  	s4 =	simm.s32 $0x0;
	s8 =	stileid.u32;
	s14 =	simm.s32 $0x6  }
0x7: {  	s15 =	simm.s32 $0x80;
	s16 =	simm.s32 $0x100;
	s18 =	simm.s32 $0x1  }
0x8: {  	s19 =	simm.s32 $0x300;
	s28 =	simm.s32 $0x2;
	s29 =	simm.s32 $0x3  }
0x9: {  	s30 =	simm.s32 $0x4;
	s31 =	simm.s32 $0x5;
	s7 =	sand.u32 $0x1, s6  }
0xa: {  	[smem:$0x7FF] =	sst s4;
	s21 =	sshll.u32 s8, $0x9;
	s6 =	sadd.s32 $0x2000, s0  }
0xb: {  	s12 =	sadd.s32 $0x5200, s0;
	s22 =	sshll.u32 s7, $0x8;
	s7 =	ssub.s32 $0x2, s7  }
0xc: {  	_ =	strace $0x80000047;
	s20 =	sor.u32 s22, s21;
	s23 =	sshrl.u32 s7, $0x1  }
0xd: {  	s21 =	simm.s32 $0x10300;
	s22 =	simm.s32 $0x8300;
	s10 =	sshrl.u32 s20, $0x3  }
0xe: {  	s13 =	ssub.s32 s7, s23;
	s24 =	sshll.u32 s20, $0x5;
	s26 =	sshll.u32 s20, $0x4  }
0xf: {  	s0 =	sadd.s32 s10, s0;
	s7 =	sadd.s32 s3, s10;
	s9 =	sadd.s32 s5, s24  }
0x10: {  	s25 =	sor.u32 $0x10, s10;
	s10 =	sadd.s32 s12, s26;
	s13 =	smax.u32 s13, $0x1  }
0x11: {  	v0 =	vlaneseq.u32;
	s24 =	simm.s32 $0xF300;
	s26 =	simm.s32 $0x14300;
	s8 =	sadd.s32 $0x25200, s0  }
0x12: {  	vm0 =	vmmov $0xffff;
	v2 =	vshrl.u32 v0, $0x3;
	s11 =	sshll.u32 s25, $0x8;
	s0 =	sshll.u32 s25, $0x7;
	s25 =	simm.s32 $0xFB00  }
0x13: {  	v1 =	vand.u32 $0x7, v0;
	v3 =	vor.u32 $0x8, v0;
	v2 =	vmul.u32 $0x8, v2;
	s11 =	sadd.s32 s5, s11;
	s12 =	sadd.s32 s12, s0;
	s0 =	simm.s32 $0x0  }
.LBB2_1:
0x14: {  	[tilespmem:s4], [sflag:$0x6] =	stream.linear.gather [hbm4b:s7+s4], $0x100, $0x38;
	[tilespmem:$0x18300] =	vst v63  }
0x15: {  	_ =	swait.ge [sflag:s14], $0x100  }
0x16: {  	[sflag:s14] =	ssyncset.done $0x0  }
0x17: {  	[sflag:s14] =	ssyncadd.s32 $0xFFFFFF00  }
0x18: {  	[tilespmem:s16], [sflag:$0x1] =	stream.indirect.gather [hbm4b:s6+s15], $0x1, s4, s15, $0xb8;
	[tilespmem:$0x18300] =	vst v63  }
0x19: {  	s3 =	simm.s32 $0x180  }
0x1a: {  	[tilespmem:s3], [sflag:$0x1] =	stream.indirect.gather [hbm4b:s6+s15], $0x1, s15, s15, $0xb8;
	[tilespmem:$0x18300] =	vst v63  }
0x1b: {  	_ =	swait.ge [sflag:s18], $0x80  }
0x1c: {  	[sflag:s18] =	ssyncset.done $0x0  }
0x1d: {  	[sflag:s18] =	ssyncadd.s32 $0xFFFFFF80  }
0x1e: {  	_ =	swait.ge [sflag:s18], $0x80  }
0x1f: {  	[sflag:s18] =	ssyncset.done $0x0  }
0x20: {  	s3 =	simm.s32 $0x0;
	[sflag:s18] =	ssyncadd.s32 $0xFFFFFF80  }
0x21: {  	v4 =	vld [tilespmem:s3+$0x100];
	_ =	sdelay $0x3  }
0x22: {  	s17 =	simm.s32 $0x40;
	s5 =	smov.u32 s20  }
.LBB2_2:
0x23: {  	s23 =	sshra.s32 s17, $0x2;
	p0 =	sne.s32 s17, $0x3C0;
	s17 =	sadd.s32 $0x40, s17;
	v5 =	vor.u32 s5, v0;
	vm1 =	vlt.s32 v4, $0x0  }
.Ltmp0:
0x24: {  	v5 =	vsel vm1, v5, v4;
	v4 =	vld [tilespmem:s23+$0x100];
	(pc) =	sbr.rel @p0 .LBB2_2-.Ltmp0, $2  }
0x25: {  	[tilespmem:s3+$0x200] =	vst v5;
	s3 =	smov.u32 s23;
	_ =	sdelay $0x2  }
0x26: {  	s5 =	sadd.s32 $0x10, s5  }
0x27: {  	v5 =	vor.u32 s5, v0;
	vm1 =	vlt.s32 v4, $0x0  }
0x28: {  	v4 =	vsel vm1, v5, v4  }
0x29: {  	[tilespmem:s3+$0x200] =	vst v4  }
0x2a: {  	[hbm4b:s8+s4] =	stream.linear.scatter [tilespmem:s16], [sflag:$0x1], $0x100, $0x38;
	[tilespmem:$0x18300] =	vst v63  }
0x2b: {  	v4 =	vld [tilespmem:$0x200];
	_ =	sdelay $0x4  }
0x2c: {  	v5 =	vshll.u32 v4, $0x1  }
0x2d: {  	v4 =	vand.u32 $0x7, v4;
	v5 =	vand.u32 $0xFFFFFFF0, v5  }
0x2e: {  	v4 =	vor.u32 v4, v5  }
0x2f: {  	v5 =	vperm.xlane v4, v1;
	_ =	sdelay $0x1  }
0x30: {  	v4 =	vperm.xlane v4, v3;
	v5 =	vadd.s32 v2, v5;
	_ =	sdelay $0x1  }
0x31: {  	v4 =	vadd.s32 v2, v4;
	_ =	sdelay $0x2  }
0x32: {  	[tilespmem:s19], [sflag:$0x2] =	stream.indirect_vreg.gather [hbm4b:s1+s4], $0x80, v5, vm0, $0xb8;
	[tilespmem:$0x18300] =	vst v63  }
0x33: {  	s23 =	simm.s32 $0xB00  }
0x34: {  	[tilespmem:s23], [sflag:$0x2] =	stream.indirect_vreg.gather [hbm4b:s1+s4], $0x80, v4, vm0, $0xb8;
	[tilespmem:$0x18300] =	vst v63  }
0x35: {  	v4 =	vld [tilespmem:$0x210];
	_ =	sdelay $0x4  }
0x36: {  	v5 =	vshll.u32 v4, $0x1  }
0x37: {  	v4 =	vand.u32 $0x7, v4;
	v5 =	vand.u32 $0xFFFFFFF0, v5  }
0x38: {  	v4 =	vor.u32 v4, v5  }
0x39: {  	v5 =	vperm.xlane v4, v1;
	_ =	sdelay $0x1  }
0x3a: {  	v4 =	vperm.xlane v4, v3;
	v5 =	vadd.s32 v2, v5;
	_ =	sdelay $0x1  }
0x3b: {  	v4 =	vadd.s32 v2, v4;
	_ =	sdelay $0x1  }
0x3c: {  	s5 =	simm.s32 $0x1300  }
0x3d: {  	[tilespmem:s5], [sflag:$0x2] =	stream.indirect_vreg.gather [hbm4b:s1+s4], $0x80, v5, vm0, $0xb8;
	[tilespmem:$0x18300] =	vst v63  }
0x3e: {  	s17 =	simm.s32 $0x1B00  }
0x3f: {  	[tilespmem:s17], [sflag:$0x2] =	stream.indirect_vreg.gather [hbm4b:s1+s4], $0x80, v4, vm0, $0xb8;
	[tilespmem:$0x18300] =	vst v63  }
0x40: {  	v4 =	vld [tilespmem:$0x220];
	_ =	sdelay $0x4  }
0x41: {  	v5 =	vshll.u32 v4, $0x1  }
0x42: {  	v4 =	vand.u32 $0x7, v4;
	v5 =	vand.u32 $0xFFFFFFF0, v5  }
0x43: {  	v4 =	vor.u32 v4, v5  }
0x44: {  	v5 =	vperm.xlane v4, v1;
	_ =	sdelay $0x1  }
0x45: {  	v4 =	vperm.xlane v4, v3;
	v5 =	vadd.s32 v2, v5;
	_ =	sdelay $0x1  }
0x46: {  	v4 =	vadd.s32 v2, v4;
	_ =	sdelay $0x1  }
0x47: {  	s23 =	simm.s32 $0x2300  }
0x48: {  	[tilespmem:s23], [sflag:$0x2] =	stream.indirect_vreg.gather [hbm4b:s1+s4], $0x80, v5, vm0, $0xb8;
	[tilespmem:$0x18300] =	vst v63  }
0x49: {  	s5 =	simm.s32 $0x2B00  }
0x4a: {  	[tilespmem:s5], [sflag:$0x2] =	stream.indirect_vreg.gather [hbm4b:s1+s4], $0x80, v4, vm0, $0xb8;
	[tilespmem:$0x18300] =	vst v63  }
0x4b: {  	v4 =	vld [tilespmem:$0x230];
	_ =	sdelay $0x4  }
0x4c: {  	v5 =	vshll.u32 v4, $0x1  }
0x4d: {  	v4 =	vand.u32 $0x7, v4;
	v5 =	vand.u32 $0xFFFFFFF0, v5  }
0x4e: {  	v4 =	vor.u32 v4, v5  }
0x4f: {  	v5 =	vperm.xlane v4, v1;
	_ =	sdelay $0x1  }
0x50: {  	v4 =	vperm.xlane v4, v3;
	v5 =	vadd.s32 v2, v5;
	_ =	sdelay $0x1  }
0x51: {  	v4 =	vadd.s32 v2, v4;
	_ =	sdelay $0x1  }
0x52: {  	s17 =	simm.s32 $0x3300  }
0x53: {  	[tilespmem:s17], [sflag:$0x2] =	stream.indirect_vreg.gather [hbm4b:s1+s4], $0x80, v5, vm0, $0xb8;
	[tilespmem:$0x18300] =	vst v63  }
0x54: {  	s23 =	simm.s32 $0x3B00  }
0x55: {  	[tilespmem:s23], [sflag:$0x2] =	stream.indirect_vreg.gather [hbm4b:s1+s4], $0x80, v4, vm0, $0xb8;
	[tilespmem:$0x18300] =	vst v63  }
0x56: {  	v4 =	vld [tilespmem:$0x240];
	_ =	sdelay $0x4  }
0x57: {  	v5 =	vshll.u32 v4, $0x1  }
0x58: {  	v4 =	vand.u32 $0x7, v4;
	v5 =	vand.u32 $0xFFFFFFF0, v5  }
0x59: {  	v4 =	vor.u32 v4, v5  }
0x5a: {  	v5 =	vperm.xlane v4, v1;
	_ =	sdelay $0x1  }
0x5b: {  	v4 =	vperm.xlane v4, v3;
	v5 =	vadd.s32 v2, v5;
	_ =	sdelay $0x1  }
0x5c: {  	v4 =	vadd.s32 v2, v4;
	_ =	sdelay $0x1  }
0x5d: {  	s5 =	simm.s32 $0x4300  }
0x5e: {  	[tilespmem:s5], [sflag:$0x2] =	stream.indirect_vreg.gather [hbm4b:s1+s4], $0x80, v5, vm0, $0xb8;
	[tilespmem:$0x18300] =	vst v63  }
0x5f: {  	s17 =	simm.s32 $0x4B00  }
0x60: {  	[tilespmem:s17], [sflag:$0x2] =	stream.indirect_vreg.gather [hbm4b:s1+s4], $0x80, v4, vm0, $0xb8;
	[tilespmem:$0x18300] =	vst v63  }
0x61: {  	v4 =	vld [tilespmem:$0x250];
	_ =	sdelay $0x4  }
0x62: {  	v5 =	vshll.u32 v4, $0x1  }
0x63: {  	v4 =	vand.u32 $0x7, v4;
	v5 =	vand.u32 $0xFFFFFFF0, v5  }
0x64: {  	v4 =	vor.u32 v4, v5  }
0x65: {  	v5 =	vperm.xlane v4, v1;
	_ =	sdelay $0x1  }
0x66: {  	v4 =	vperm.xlane v4, v3;
	v5 =	vadd.s32 v2, v5;
	_ =	sdelay $0x1  }
0x67: {  	v4 =	vadd.s32 v2, v4;
	_ =	sdelay $0x1  }
0x68: {  	s23 =	simm.s32 $0x5300  }
0x69: {  	[tilespmem:s23], [sflag:$0x2] =	stream.indirect_vreg.gather [hbm4b:s1+s4], $0x80, v5, vm0, $0xb8;
	[tilespmem:$0x18300] =	vst v63  }
0x6a: {  	s5 =	simm.s32 $0x5B00  }
0x6b: {  	[tilespmem:s5], [sflag:$0x2] =	stream.indirect_vreg.gather [hbm4b:s1+s4], $0x80, v4, vm0, $0xb8;
	[tilespmem:$0x18300] =	vst v63  }
0x6c: {  	v4 =	vld [tilespmem:$0x260];
	_ =	sdelay $0x4  }
0x6d: {  	v5 =	vshll.u32 v4, $0x1  }
0x6e: {  	v4 =	vand.u32 $0x7, v4;
	v5 =	vand.u32 $0xFFFFFFF0, v5  }
0x6f: {  	v4 =	vor.u32 v4, v5  }
0x70: {  	v5 =	vperm.xlane v4, v1;
	_ =	sdelay $0x1  }
0x71: {  	v4 =	vperm.xlane v4, v3;
	v5 =	vadd.s32 v2, v5;
	_ =	sdelay $0x1  }
0x72: {  	v4 =	vadd.s32 v2, v4;
	_ =	sdelay $0x1  }
0x73: {  	s17 =	simm.s32 $0x6300  }
0x74: {  	[tilespmem:s17], [sflag:$0x2] =	stream.indirect_vreg.gather [hbm4b:s1+s4], $0x80, v5, vm0, $0xb8;
	[tilespmem:$0x18300] =	vst v63  }
0x75: {  	s23 =	simm.s32 $0x6B00  }
0x76: {  	[tilespmem:s23], [sflag:$0x2] =	stream.indirect_vreg.gather [hbm4b:s1+s4], $0x80, v4, vm0, $0xb8;
	[tilespmem:$0x18300] =	vst v63  }
0x77: {  	v4 =	vld [tilespmem:$0x270];
	_ =	sdelay $0x4  }
0x78: {  	v5 =	vshll.u32 v4, $0x1  }
0x79: {  	v4 =	vand.u32 $0x7, v4;
	v5 =	vand.u32 $0xFFFFFFF0, v5  }
0x7a: {  	v4 =	vor.u32 v4, v5  }
0x7b: {  	v5 =	vperm.xlane v4, v1;
	_ =	sdelay $0x1  }
0x7c: {  	v4 =	vperm.xlane v4, v3;
	v5 =	vadd.s32 v2, v5;
	_ =	sdelay $0x1  }
0x7d: {  	v4 =	vadd.s32 v2, v4;
	_ =	sdelay $0x1  }
0x7e: {  	s5 =	simm.s32 $0x7300  }
0x7f: {  	[tilespmem:s5], [sflag:$0x2] =	stream.indirect_vreg.gather [hbm4b:s1+s4], $0x80, v5, vm0, $0xb8;
	[tilespmem:$0x18300] =	vst v63  }
0x80: {  	s17 =	simm.s32 $0x7B00  }
0x81: {  	[tilespmem:s17], [sflag:$0x2] =	stream.indirect_vreg.gather [hbm4b:s1+s4], $0x80, v4, vm0, $0xb8;
	[tilespmem:$0x18300] =	vst v63  }
0x82: {  	_ = 	snop  }
0x83: {  	[tilespmem:s21], [sflag:$0x3] =	stream.indirect.gather [hbm4b:s2+s15], $0x80, s4, s15, $0xb8;
	[tilespmem:$0x18300] =	vst v63  }
0x84: {  	v4 =	vld [tilespmem:$0x280];
	_ =	sdelay $0x4  }
0x85: {  	v5 =	vshll.u32 v4, $0x1  }
0x86: {  	v4 =	vand.u32 $0x7, v4;
	v5 =	vand.u32 $0xFFFFFFF0, v5  }
0x87: {  	v4 =	vor.u32 v4, v5  }
0x88: {  	v5 =	vperm.xlane v4, v1;
	_ =	sdelay $0x1  }
0x89: {  	v4 =	vperm.xlane v4, v3;
	v5 =	vadd.s32 v2, v5;
	_ =	sdelay $0x1  }
0x8a: {  	v4 =	vadd.s32 v2, v4;
	_ =	sdelay $0x2  }
0x8b: {  	[tilespmem:s22], [sflag:$0x2] =	stream.indirect_vreg.gather [hbm4b:s1+s4], $0x80, v5, vm0, $0xb8;
	[tilespmem:$0x18300] =	vst v63  }
0x8c: {  	s23 =	simm.s32 $0x8B00  }
0x8d: {  	[tilespmem:s23], [sflag:$0x2] =	stream.indirect_vreg.gather [hbm4b:s1+s4], $0x80, v4, vm0, $0xb8;
	[tilespmem:$0x18300] =	vst v63  }
0x8e: {  	v4 =	vld [tilespmem:$0x290];
	_ =	sdelay $0x4  }
0x8f: {  	v5 =	vshll.u32 v4, $0x1  }
0x90: {  	v4 =	vand.u32 $0x7, v4;
	v5 =	vand.u32 $0xFFFFFFF0, v5  }
0x91: {  	v4 =	vor.u32 v4, v5  }
0x92: {  	v5 =	vperm.xlane v4, v1;
	_ =	sdelay $0x1  }
0x93: {  	v4 =	vperm.xlane v4, v3;
	v5 =	vadd.s32 v2, v5;
	_ =	sdelay $0x1  }
0x94: {  	v4 =	vadd.s32 v2, v4;
	_ =	sdelay $0x1  }
0x95: {  	s5 =	simm.s32 $0x9300  }
0x96: {  	[tilespmem:s5], [sflag:$0x2] =	stream.indirect_vreg.gather [hbm4b:s1+s4], $0x80, v5, vm0, $0xb8;
	[tilespmem:$0x18300] =	vst v63  }
0x97: {  	s17 =	simm.s32 $0x9B00  }
0x98: {  	[tilespmem:s17], [sflag:$0x2] =	stream.indirect_vreg.gather [hbm4b:s1+s4], $0x80, v4, vm0, $0xb8;
	[tilespmem:$0x18300] =	vst v63  }
0x99: {  	v4 =	vld [tilespmem:$0x2A0];
	_ =	sdelay $0x4  }
0x9a: {  	v5 =	vshll.u32 v4, $0x1  }
0x9b: {  	v4 =	vand.u32 $0x7, v4;
	v5 =	vand.u32 $0xFFFFFFF0, v5  }
0x9c: {  	v4 =	vor.u32 v4, v5  }
0x9d: {  	v5 =	vperm.xlane v4, v1;
	_ =	sdelay $0x1  }
0x9e: {  	v4 =	vperm.xlane v4, v3;
	v5 =	vadd.s32 v2, v5;
	_ =	sdelay $0x1  }
0x9f: {  	v4 =	vadd.s32 v2, v4;
	_ =	sdelay $0x1  }
0xa0: {  	s23 =	simm.s32 $0xA300  }
0xa1: {  	[tilespmem:s23], [sflag:$0x2] =	stream.indirect_vreg.gather [hbm4b:s1+s4], $0x80, v5, vm0, $0xb8;
	[tilespmem:$0x18300] =	vst v63  }
0xa2: {  	s5 =	simm.s32 $0xAB00  }
0xa3: {  	[tilespmem:s5], [sflag:$0x2] =	stream.indirect_vreg.gather [hbm4b:s1+s4], $0x80, v4, vm0, $0xb8;
	[tilespmem:$0x18300] =	vst v63  }
0xa4: {  	v4 =	vld [tilespmem:$0x2B0];
	_ =	sdelay $0x4  }
0xa5: {  	v5 =	vshll.u32 v4, $0x1  }
0xa6: {  	v4 =	vand.u32 $0x7, v4;
	v5 =	vand.u32 $0xFFFFFFF0, v5  }
0xa7: {  	v4 =	vor.u32 v4, v5  }
0xa8: {  	v5 =	vperm.xlane v4, v1;
	_ =	sdelay $0x1  }
0xa9: {  	v4 =	vperm.xlane v4, v3;
	v5 =	vadd.s32 v2, v5;
	_ =	sdelay $0x1  }
0xaa: {  	v4 =	vadd.s32 v2, v4;
	_ =	sdelay $0x1  }
0xab: {  	s17 =	simm.s32 $0xB300  }
0xac: {  	[tilespmem:s17], [sflag:$0x2] =	stream.indirect_vreg.gather [hbm4b:s1+s4], $0x80, v5, vm0, $0xb8;
	[tilespmem:$0x18300] =	vst v63  }
0xad: {  	s23 =	simm.s32 $0xBB00  }
0xae: {  	[tilespmem:s23], [sflag:$0x2] =	stream.indirect_vreg.gather [hbm4b:s1+s4], $0x80, v4, vm0, $0xb8;
	[tilespmem:$0x18300] =	vst v63  }
0xaf: {  	v4 =	vld [tilespmem:$0x2C0];
	_ =	sdelay $0x4  }
0xb0: {  	v5 =	vshll.u32 v4, $0x1  }
0xb1: {  	v4 =	vand.u32 $0x7, v4;
	v5 =	vand.u32 $0xFFFFFFF0, v5  }
0xb2: {  	v4 =	vor.u32 v4, v5  }
0xb3: {  	v5 =	vperm.xlane v4, v1;
	_ =	sdelay $0x1  }
0xb4: {  	v4 =	vperm.xlane v4, v3;
	v5 =	vadd.s32 v2, v5;
	_ =	sdelay $0x1  }
0xb5: {  	v4 =	vadd.s32 v2, v4;
	_ =	sdelay $0x1  }
0xb6: {  	s5 =	simm.s32 $0xC300  }
0xb7: {  	[tilespmem:s5], [sflag:$0x2] =	stream.indirect_vreg.gather [hbm4b:s1+s4], $0x80, v5, vm0, $0xb8;
	[tilespmem:$0x18300] =	vst v63  }
0xb8: {  	s17 =	simm.s32 $0xCB00  }
0xb9: {  	[tilespmem:s17], [sflag:$0x2] =	stream.indirect_vreg.gather [hbm4b:s1+s4], $0x80, v4, vm0, $0xb8;
	[tilespmem:$0x18300] =	vst v63  }
0xba: {  	v4 =	vld [tilespmem:$0x2D0];
	_ =	sdelay $0x4  }
0xbb: {  	v5 =	vshll.u32 v4, $0x1  }
0xbc: {  	v4 =	vand.u32 $0x7, v4;
	v5 =	vand.u32 $0xFFFFFFF0, v5  }
0xbd: {  	v4 =	vor.u32 v4, v5  }
0xbe: {  	v5 =	vperm.xlane v4, v1;
	_ =	sdelay $0x1  }
0xbf: {  	v4 =	vperm.xlane v4, v3;
	v5 =	vadd.s32 v2, v5;
	_ =	sdelay $0x1  }
0xc0: {  	v4 =	vadd.s32 v2, v4;
	_ =	sdelay $0x1  }
0xc1: {  	s23 =	simm.s32 $0xD300  }
0xc2: {  	[tilespmem:s23], [sflag:$0x2] =	stream.indirect_vreg.gather [hbm4b:s1+s4], $0x80, v5, vm0, $0xb8;
	[tilespmem:$0x18300] =	vst v63  }
0xc3: {  	s5 =	simm.s32 $0xDB00  }
0xc4: {  	[tilespmem:s5], [sflag:$0x2] =	stream.indirect_vreg.gather [hbm4b:s1+s4], $0x80, v4, vm0, $0xb8;
	[tilespmem:$0x18300] =	vst v63  }
0xc5: {  	v4 =	vld [tilespmem:$0x2E0];
	_ =	sdelay $0x4  }
0xc6: {  	v5 =	vshll.u32 v4, $0x1  }
0xc7: {  	v4 =	vand.u32 $0x7, v4;
	v5 =	vand.u32 $0xFFFFFFF0, v5  }
0xc8: {  	v4 =	vor.u32 v4, v5  }
0xc9: {  	v5 =	vperm.xlane v4, v1;
	_ =	sdelay $0x1  }
0xca: {  	v4 =	vperm.xlane v4, v3;
	v5 =	vadd.s32 v2, v5;
	_ =	sdelay $0x1  }
0xcb: {  	v4 =	vadd.s32 v2, v4;
	_ =	sdelay $0x1  }
0xcc: {  	s17 =	simm.s32 $0xE300  }
0xcd: {  	[tilespmem:s17], [sflag:$0x2] =	stream.indirect_vreg.gather [hbm4b:s1+s4], $0x80, v5, vm0, $0xb8;
	[tilespmem:$0x18300] =	vst v63  }
0xce: {  	s23 =	simm.s32 $0xEB00  }
0xcf: {  	[tilespmem:s23], [sflag:$0x2] =	stream.indirect_vreg.gather [hbm4b:s1+s4], $0x80, v4, vm0, $0xb8;
	[tilespmem:$0x18300] =	vst v63  }
0xd0: {  	v4 =	vld [tilespmem:$0x2F0];
	_ =	sdelay $0x4  }
0xd1: {  	v5 =	vshll.u32 v4, $0x1  }
0xd2: {  	v4 =	vand.u32 $0x7, v4;
	v5 =	vand.u32 $0xFFFFFFF0, v5  }
0xd3: {  	v4 =	vor.u32 v4, v5  }
0xd4: {  	v5 =	vperm.xlane v4, v1;
	_ =	sdelay $0x1  }
0xd5: {  	v4 =	vperm.xlane v4, v3;
	v5 =	vadd.s32 v2, v5;
	_ =	sdelay $0x1  }
0xd6: {  	v4 =	vadd.s32 v2, v4;
	_ =	sdelay $0x2  }
0xd7: {  	[tilespmem:s24], [sflag:$0x2] =	stream.indirect_vreg.gather [hbm4b:s1+s4], $0x80, v5, vm0, $0xb8;
	[tilespmem:$0x18300] =	vst v63  }
0xd8: {  	_ = 	snop  }
0xd9: {  	[tilespmem:s25], [sflag:$0x2] =	stream.indirect_vreg.gather [hbm4b:s1+s4], $0x80, v4, vm0, $0xb8;
	[tilespmem:$0x18300] =	vst v63  }
0xda: {  	_ = 	snop  }
0xdb: {  	[tilespmem:s26], [sflag:$0x3] =	stream.indirect.gather [hbm4b:s2+s15], $0x80, s15, s15, $0xb8;
	[tilespmem:$0x18300] =	vst v63  }
0xdc: {  	_ =	swait.ge [sflag:s28], $0x8000  }
0xdd: {  	[sflag:s28] =	ssyncset.done $0x0  }
0xde: {  	[sflag:s28] =	ssyncadd.s32 $0xFFFF8000  }
0xdf: {  	_ =	swait.ge [sflag:s29], $0x4000  }
0xe0: {  	[sflag:s29] =	ssyncset.done $0x0  }
0xe1: {  	[sflag:s29] =	ssyncadd.s32 $0xFFFFC000  }
0xe2: {  	[hbm4b:s9+s4] =	stream.linear.scatter [tilespmem:s19], [sflag:$0x4], $0x8000, $0x38;
	[tilespmem:$0x18300] =	vst v63  }
0xe3: {  	_ = 	snop  }
0xe4: {  	[hbm4b:s10+s4] =	stream.linear.scatter [tilespmem:s21], [sflag:$0x5], $0x4000, $0x38;
	[tilespmem:$0x18300] =	vst v63  }
0xe5: {  	_ =	swait.ge [sflag:s30], $0x8000  }
0xe6: {  	[sflag:s30] =	ssyncset.done $0x0  }
0xe7: {  	[sflag:s30] =	ssyncadd.s32 $0xFFFF8000  }
0xe8: {  	_ =	swait.ge [sflag:s31], $0x4000  }
0xe9: {  	[sflag:s31] =	ssyncset.done $0x0  }
0xea: {  	[sflag:s31] =	ssyncadd.s32 $0xFFFFC000  }
0xeb: {  	_ =	swait.ge [sflag:s28], $0x8000  }
0xec: {  	[sflag:s28] =	ssyncset.done $0x0  }
0xed: {  	[sflag:s28] =	ssyncadd.s32 $0xFFFF8000  }
0xee: {  	_ =	swait.ge [sflag:s29], $0x4000  }
0xef: {  	[sflag:s29] =	ssyncset.done $0x0  }
0xf0: {  	[sflag:s29] =	ssyncadd.s32 $0xFFFFC000  }
0xf1: {  	[hbm4b:s11+s4] =	stream.linear.scatter [tilespmem:s22], [sflag:$0x4], $0x8000, $0x38;
	[tilespmem:$0x18300] =	vst v63  }
0xf2: {  	_ = 	snop  }
0xf3: {  	[hbm4b:s12+s4] =	stream.linear.scatter [tilespmem:s26], [sflag:$0x5], $0x4000, $0x38;
	[tilespmem:$0x18300] =	vst v63  }
0xf4: {  	_ =	swait.ge [sflag:s30], $0x8000  }
0xf5: {  	[sflag:s30] =	ssyncset.done $0x0  }
0xf6: {  	s0 =	sadd.s32 $0x1, s0;
	[sflag:s30] =	ssyncadd.s32 $0xFFFF8000  }
0xf7: {  	p0 =	sne.s32 s0, s13;
	_ =	swait.ge [sflag:s31], $0x4000  }
.Ltmp1:
0xf8: {  	[sflag:s31] =	ssyncset.done $0x0;
	(pc) =	sbr.rel @p0 .LBB2_1-.Ltmp1, $4  }
0xf9: {  	[sflag:s31] =	ssyncadd.s32 $0xFFFFC000  }
0xfa: {  	_ =	swait.ge [sflag:s18], $0x100  }
0xfb: {  	[sflag:s18] =	ssyncset.done $0x0  }
0xfc: {  	[sflag:s18] =	ssyncadd.s32 $0xFFFFFF00  }
0xfd: {  	_ =	sfence.sel $0x180000  }
0xfe: {  	[bflag:$0x0] =	sbarrier.arrive $0xFFFF  }
0xff: {  	_ =	strace $0x90000047  }
0x100: {  	s0 =	stileid.u32;
	[bflag:$0x2] =	sbarrier.arrive $0xFFFF  }
0x101: {  	p0 =	sne.s32 s0, $0x0;
	s0 =	rddreg [dreg:$0x5]  }
0x102: {  	s0 =	sadd.s32 @!p0 $0x100000, s0  }
0x103: {  	[sflag:s0] =	ssyncadd.tile.s32 @!p0 $0x1;
	_ =	shalt  }
.Lfunc_end2:
_tile_overlayer_lowered:
.L_overlay_start_2:
0x104: {  	(tag) =	ssettag $0x2  }
0x105: {  	s0 =	rddreg [dreg:$0x0];
	s2 =	stileid.u32  }
0x106: {  	s1 =	rddreg [dreg:$0x1];
	p0 =	sne.s32 s2, $0x0  }
0x107: {  	s3 =	rddreg [dreg:$0x2];
	[bflag:$0x3] =	sbarrier.arrive $0xFFFF;
	s2 =	simm.s32 @!p0 $0x1C06  }
0x108: {  	[timem:s3], [sflag:s2] =	dma.local @!p0 [hbm:s0], s1  }
0x109: {  	s0 =	simm.s32 @!p0 $0x6  }
0x10a: {  	_ =	swait.ge @!p0 [sflag:s0], s1  }
0x10b: {  	s1 =	ssub.s32 @!p0 $0x0, s1;
	[sflag:s0] =	ssyncset.done @!p0 $0x0  }
0x10c: {  	[sflag:s0] =	ssyncadd.s32 @!p0 s1  }
0x10d: {  	[bflag:$0x3] =	sbarrier.arrive $0xFFFF  }
0x10e: {  	_ =	shalt  }

// kernel: kernel.9.cloned.1.call-start
scs
__scs_entry_jumppad:
0x0: {  	(pc) =	sbr.rel $0x88, $3  }
0x1: {  	(tag) =	ssettag $0x0;
	lr =	simm.s32 $0x1  }
0x2: {  	[smem:$0x3F9A] =	sst lr;
	_ =	strace $0xD0000000  }
0x3: {  	_ = 	snop  }
0x4: {  	_ = 	snop  }
0x5: {  	_ = 	snop  }
0x6: {  	_ = 	snop  }
0x7: {  	_ = 	snop  }
__scs_overlays_trampoline_lowered:
0x8: {  	[smem:$0x3FA9] =	sst s0  }
0x9: {  	[smem:$0x3FAA] =	sst s1  }
0xa: {  	[smem:$0x3FAB] =	sst s2  }
0xb: {  	[smem:$0x3FAC] =	sst s3  }
0xc: {  	[smem:$0x3FAD] =	sst s4  }
0xd: {  	[smem:$0x3FAE] =	sst s5  }
0xe: {  	[smem:$0x3FAF] =	sst s6  }
0xf: {  	[smem:$0x3FB0] =	sst s7  }
0x10: {  	[smem:$0x3FB1] =	sst s8  }
0x11: {  	[smem:$0x3FB2] =	sst s9;
	s0 =	simm.s32 @!p0 $0x0  }
0x12: {  	s1 =	sld [smem:$0x3F98];
	s0 =	simm.s32 @p0 $0x1  }
0x13: {  	[smem:$0x3FB3] =	sst s0;
	s0 =	simm.s32 @!p1 $0x0  }
0x14: {  	s2 =	sld [smem:$0x3F97];
	s0 =	simm.s32 @p1 $0x1  }
0x15: {  	[smem:$0x3FB4] =	sst s0;
	s0 =	simm.s32 @!p2 $0x0  }
0x16: {  	s3 =	sld [smem:$0x3FDB];
	s0 =	simm.s32 @p2 $0x1  }
0x17: {  	s4 =	simm.s32 $0x1BF5;
	[smem:$0x3FB6] =	sst s0  }
0x18: {  	s0 =	sld [smem:$0x3F99];
	_ =	swait.ge [sflag:s4], $0x0  }
0x19: {  	s7 =	sld [smem:$0x3F9A]  }
0x1a: {  	s8 =	sadd.s32 $0xFFFFE003, lr  }
0x1b: {  	s9 =	sadd.s32 $0xFFFFFEF7, lr;
	s5 =	simm.s32 $0xFFFFFFFF;
	p2 =	slt.u32 s8, $0xFFFFF086  }
0x1c: {  	p1 =	slt.u32 s9, $0xF7A;
	s5 =	simm.s32 @!p2 $0x0  }
0x1d: {  	s5 =	simm.s32 @p1 $0x1;
	p0 =	seq.s32 s7, s2  }
0x1e: {  	s7 =	smul.u32 @!p0 $0xF7A, s2;
	p2 =	seq.s32 @!p0 s5, $0x0  }
0x1f: {  	s9 =	smul.u32 $0xF7A, s1;
	s8 =	simm.s32 @!p0 $0x1BF5;
	p2 =	por !p2, p0  }
0x20: {  	[sflag:s8] =	ssyncset.s32 @!p0 $0xFFFFF086;
	s6 =	sadd.s32 @!p0 s3, s7;
	s7 =	simm.s32 @!p0 $0x108  }
0x21: {  	s3 =	sadd.s32 s3, s9;
	s6 =	sadd.s32 @!p0 $0x88, s6;
	s7 =	simm.s32 @p2 $0x1082  }
0x22: {  	[simem:s7], [sflag:s8] =	dma.local @!p0 [hbm:s6], $0xF7A  }
0x23: {  	s9 =	sor.u32 $0xD0000000, s2;
	s6 =	simm.s32 $0x108;
	_ =	swait.ge @!p0 [sflag:s8], $0x0  }
0x24: {  	s3 =	sadd.s32 $0x88, s3;
	s6 =	simm.s32 @!p1 $0x1082;
	[sflag:s4] =	ssyncset.s32 $0xFFFFF086  }
0x25: {  	[simem:s6], [sflag:s4] =	dma.local [hbm:s3], $0xF7A  }
0x26: {  	[smem:$0x3F9A] =	sst s1;
	(tag) =	ssettag s2;
	_ =	strace s9  }
0x27: {  	s1 =	sld [smem:$0x3FAA]  }
0x28: {  	s2 =	sld [smem:$0x3FAB]  }
0x29: {  	s4 =	sld [smem:$0x3FAD]  }
0x2a: {  	p0 =	seq.s32 s5, $0x0;
	s5 =	sld [smem:$0x3FAE]  }
0x2b: {  	s6 =	sld [smem:$0x3FAF]  }
0x2c: {  	s7 =	sld [smem:$0x3FB0]  }
0x2d: {  	s3 =	simm.s32 $0x108;
	s8 =	sld [smem:$0x3FB1]  }
0x2e: {  	s3 =	simm.s32 @!p0 $0x1082;
	s9 =	sld [smem:$0x3FB2]  }
0x2f: {  	lr =	sadd.s32 s0, s3;
	s0 =	sld [smem:$0x3FA9]  }
0x30: {  	s3 =	sld [smem:$0x3FAC]  }
0x31: {  	[smem:$0x3FB5] =	sst s10  }
0x32: {  	s10 =	sld [smem:$0x3FB3];
	_ =	sdelay $0x3  }
0x33: {  	p0 =	seq.s32 s10, $0x1;
	s10 =	sld [smem:$0x3FB5];
	_ =	sdelay $0x3  }
0x34: {  	[smem:$0x3FB5] =	sst s10  }
0x35: {  	s10 =	sld [smem:$0x3FB4];
	_ =	sdelay $0x3  }
0x36: {  	p1 =	seq.s32 s10, $0x1;
	s10 =	sld [smem:$0x3FB5];
	_ =	sdelay $0x3  }
0x37: {  	[smem:$0x3FB5] =	sst s10  }
0x38: {  	s10 =	sld [smem:$0x3FB6]  }
0x39: {  	_ = 	snop;
	(pc) =	sbr.ind lr, $3  }
0x3a: {  	_ = 	snop  }
0x3b: {  	_ = 	snop  }
0x3c: {  	p2 =	seq.s32 s10, $0x1;
	s10 =	sld [smem:$0x3FB5]  }
0x3d: {  	_ =	shalt  }
0x3e: {  	_ =	shalt  }
0x3f: {  	_ =	shalt  }
0x40: {  	_ =	shalt  }
0x41: {  	_ =	shalt  }
0x42: {  	_ =	shalt  }
0x43: {  	_ =	shalt  }
0x44: {  	_ =	shalt  }
0x45: {  	_ =	shalt  }
0x46: {  	_ =	shalt  }
0x47: {  	_ =	shalt  }
0x48: {  	_ =	shalt  }
0x49: {  	_ =	shalt  }
0x4a: {  	_ =	shalt  }
0x4b: {  	_ =	shalt  }
0x4c: {  	_ =	shalt  }
0x4d: {  	_ =	shalt  }
0x4e: {  	_ =	shalt  }
0x4f: {  	_ =	shalt  }
0x50: {  	_ =	shalt  }
0x51: {  	_ =	shalt  }
0x52: {  	_ =	shalt  }
0x53: {  	_ =	shalt  }
0x54: {  	_ =	shalt  }
0x55: {  	_ =	shalt  }
0x56: {  	_ =	shalt  }
0x57: {  	_ =	shalt  }
0x58: {  	_ =	shalt  }
0x59: {  	_ =	shalt  }
0x5a: {  	_ =	shalt  }
0x5b: {  	_ =	shalt  }
0x5c: {  	_ =	shalt  }
0x5d: {  	_ =	shalt  }
0x5e: {  	_ =	shalt  }
0x5f: {  	_ =	shalt  }
0x60: {  	_ =	shalt  }
0x61: {  	_ =	shalt  }
0x62: {  	_ =	shalt  }
0x63: {  	_ =	shalt  }
0x64: {  	_ =	shalt  }
0x65: {  	_ =	shalt  }
0x66: {  	_ =	shalt  }
0x67: {  	_ =	shalt  }
0x68: {  	_ =	shalt  }
0x69: {  	_ =	shalt  }
0x6a: {  	_ =	shalt  }
0x6b: {  	_ =	shalt  }
0x6c: {  	_ =	shalt  }
0x6d: {  	_ =	shalt  }
0x6e: {  	_ =	shalt  }
0x6f: {  	_ =	shalt  }
0x70: {  	_ =	shalt  }
0x71: {  	_ =	shalt  }
0x72: {  	_ =	shalt  }
0x73: {  	_ =	shalt  }
0x74: {  	_ =	shalt  }
0x75: {  	_ =	shalt  }
0x76: {  	_ =	shalt  }
0x77: {  	_ =	shalt  }
0x78: {  	_ =	shalt  }
0x79: {  	_ =	shalt  }
0x7a: {  	_ =	shalt  }
0x7b: {  	_ =	shalt  }
0x7c: {  	_ =	shalt  }
0x7d: {  	_ =	shalt  }
0x7e: {  	_ =	shalt  }
0x7f: {  	_ =	shalt  }
0x80: {  	_ =	shalt  }
0x81: {  	_ =	shalt  }
0x82: {  	_ =	shalt  }
0x83: {  	_ =	shalt  }
0x84: {  	_ =	shalt  }
0x85: {  	_ =	shalt  }
0x86: {  	_ =	shalt  }
0x87: {  	_ =	shalt  }
.Lfunc_end0:
.L_simem_size_0:
called_computation.1_lowered:
.L_overlay_start_0:
0x88: {  	s2 =	sld [smem:$0x3FD9]  }
0x89: {  	s3 =	sld [smem:$0x3FFE];
	_ =	sdelay $0x1  }
0x8a: {  	s1 =	srdreg.scid  }
0x8b: {  	s0 =	sand.u32 $0x1, s1  }
0x8c: {  	s17 =	sshll.u32 s0, $0xA;
	s2 =	sadd.s32 s3, s2  }
0x8d: {  	s2 =	sadd.s32 s2, s17  }
0x8e: {  	[smem:$0x3FC1] =	sst s2  }
0x8f: {  	_ = 	snop  }
0x90: {  	s18 =	sld [smem:$0x3FC9]  }
0x91: {  	s4 =	sld [smem:$0x3FC6]  }
0x92: {  	s5 =	sld [smem:$0x3FC3];
	(tm) =	ssettm $0x1  }
0x93: {  	s19 =	sld [smem:$0x3FFB];
	_ =	sdelay $0x3  }
0x94: {  	_ =	strace s19  }
0x95: {  	s2 =	sld [smem:$0x3FFC];
	_ =	sdelay $0x3  }
0x96: {  	_ =	strace s2  }
0x97: {  	s2 =	sld [smem:$0x3FFD];
	_ =	sdelay $0x3  }
0x98: {  	_ =	strace s2  }
0x99: {  	_ =	strace $0x8FFFFFFF  }
0x9a: {  	s20 =	sld [smem:$0x3FDB];
	_ =	sdelay $0x1  }
0x9b: {  	s6 =	simm.s32 $_scs_section_size  }
0x9c: {  	s7 =	simm.s32 $_size__tile_overlayer_lowered;
	s8 =	simm.s32 $_tile_overlayer_lowered  }
0x9d: {  	s9 =	simm.s32 $0x1BFF;
	s21 =	sshll.u32 s8, $0x1;
	s6 =	sadd.s32 s6, s20  }
0x9e: {  	s22 =	simm.s32 $0x0;
	s7 =	sshll.u32 s7, $0x1;
	s8 =	sadd.s32 s21, s6  }
0x9f: {  	[timem:s22], [sflag:s9] =	dma.local [hbm:s8], s7  }
0xa0: {  	_ =	swait.ge [sflag:s9], s7  }
0xa1: {  	s7 =	ssub.s32 $0x0, s7;
	[sflag:s9] =	ssyncset.done $0x0  }
0xa2: {  	[sflag:s9] =	ssyncadd.s32 s7;
	_ =	sdelay $0x1  }
0xa3: {  	s23 =	simm.s32 $0x1B8B  }
0xa4: {  	_ =	swait.ge [sflag:s23], $0x1  }
0xa5: {  	[sflag:s23] =	ssyncset.done $0x0  }
0xa6: {  	[sflag:s23] =	ssyncadd.s32 $0xFFFFFFFF  }
0xa7: {  	s7 =	sld [smem:$0x0]  }
0xa8: {  	s8 =	sand.u32 $0xFFFFFFFE, s1  }
0xa9: {  	p0 =	sne.s32 s1, s8  }
0xaa: {  	s8 =	sshll.u32 @p0 s8, $0xE  }
0xab: {  	s8 =	sadd.s32 @p0 $0x11B8D, s8;
	s9 =	sshll.u32 @p0 s7, $0x11  }
0xac: {  	s8 =	sor.u32 @p0 s9, s8  }
0xad: {  	[sflag:s8] =	ssyncadd.remote.s32 @p0 $0x1;
	_ =	sdelay $0x1  }
0xae: {  	s8 =	simm.s32 @p0 $0x1B8D  }
0xaf: {  	_ =	swait.eq @p0 [sflag:s8], $0x1  }
0xb0: {  	[sflag:s8] =	ssyncadd.s32 @p0 $0xFFFFFFFF  }
0xb1: {  	s9 =	sshll.u32 @!p0 s1, $0xE  }
0xb2: {  	s9 =	sor.u32 @!p0 $0x4000, s9;
	s8 =	simm.s32 @!p0 $0x1B8D  }
0xb3: {  	s7 =	sshll.u32 @!p0 s7, $0x11;
	s9 =	sadd.s32 @!p0 $0x11B8D, s9;
	_ =	swait.eq @!p0 [sflag:s8], $0x1  }
0xb4: {  	s7 =	sor.u32 @!p0 s7, s9;
	[sflag:s8] =	ssyncadd.s32 @!p0 $0xFFFFFFFF  }
0xb5: {  	s25 =	simm.s32 $0x1B8E;
	s24 =	sld [smem:$0x3FFE];
	[sflag:s7] =	ssyncadd.remote.s32 @!p0 $0x1  }
0xb6: {  	s26 =	simm.s32 $execute0_lowered;
	[smem:$0x3FD2] =	sst s25  }
0xb7: {  	s8 =	sshll.u32 s26, $0x1;
	_ =	strace $0x80000049;
	[dreg:$0x1] =	wrdreg $0xFFFFFFFF  }
0xb8: {  	s28 =	simm.s32 $_size_execute0_lowered;
	s6 =	sadd.s32 s6, s8;
	[dreg:$0x0] =	wrdreg $0x0  }
0xb9: {  	s8 =	sshll.u32 s28, $0x1;
	[dreg:$0x2] =	wrdreg s6  }
0xba: {  	[dreg:$0x3] =	wrdreg s8  }
0xbb: {  	[dreg:$0x4] =	wrdreg $0xC0  }
0xbc: {  	_ =	task [dreg:s22], $0x5FFFF  }
0xbd: {  	[dreg:$0x1] =	wrdreg $0xFFFFFFFF  }
0xbe: {  	[dreg:$0x0] =	wrdreg $0x60  }
0xbf: {  	[dreg:$0x2] =	wrdreg s24  }
0xc0: {  	[dreg:$0x3] =	wrdreg s18  }
0xc1: {  	[dreg:$0x4] =	wrdreg s4  }
0xc2: {  	[dreg:$0x5] =	wrdreg s5  }
0xc3: {  	[dreg:$0x6] =	wrdreg $0xA  }
0xc4: {  	_ =	task.clear_ibuf [dreg:s22], $0x7FFFF;
	_ =	strace $0x90000049  }
0xc5: {  	s29 =	simm.s32 $0xA;
	_ =	strace $0x8000004B  }
0xc6: {  	_ =	swait.ge [sflag:s29], $0x1  }
0xc7: {  	[sflag:s29] =	ssyncadd.s32 $0xFFFFFFFF  }
0xc8: {  	_ =	strace $0x9000004B  }
0xc9: {  	_ =	sfence  }
0xca: {  	s30 =	sld [smem:$0x0];
	_ =	sdelay $0x2  }
0xcb: {  	s31 =	sshll.u32 s1, $0xD;
	s1 =	sshrl.u32 s1, $0x2  }
0xcc: {  	s4 =	sand.u32 $0x4000, s31;
	s1 =	sadd.s32 s1, s30  }
0xcd: {  	s0 =	sor.u32 s4, s0;
	s1 =	sshll.u32 s1, $0x11  }
0xce: {  	s0 =	sor.u32 s1, s0  }
0xcf: {  	s0 =	sadd.s32 $0x8F2B, s0  }
0xd0: {  	[sflag:s0] =	ssyncadd.remote.s32 $0x1  }
0xd1: {  	_ =	sfence.sel $0xFFFF  }
0xd2: {  	[dreg:$0x0] =	wrdreg $0xFFFFFFFF;
	(pc) =	sbr.abs _section_cstart, $3  }
0xd3: {  	[dreg:$0x1] =	wrdreg $0xFFFFFFFF  }
0xd4: {  	_ =	task.clear_ibuf [dreg:s22], $0x2FFFF;
	_ =	strace $0x9FFFFFFF  }
0xd5: {  	(tm) =	ssettm $0x7FFFFFFF  }
tec
execute0_lowered:
.L_overlay_start_1:
0x0: {  	(tag) =	ssettag $0x1  }
0x1: {  	s0 =	rddreg [dreg:$0x0]  }
0x2: {  	s3 =	rddreg [dreg:$0x1]  }
0x3: {  	s1 =	rddreg [dreg:$0x2]  }
0x4: {  	s2 =	rddreg [dreg:$0x3];
	s4 =	simm.s32 $0x0  }
0x5: {  	s5 =	srdreg.scid;
	s7 =	stileid.u32;
	s14 =	simm.s32 $0x6  }
0x6: {  	s15 =	simm.s32 $0x80;
	s16 =	simm.s32 $0x100;
	s18 =	simm.s32 $0x1  }
0x7: {  	s19 =	simm.s32 $0x300;
	s21 =	simm.s32 $0x10300;
	s28 =	simm.s32 $0x2  }
0x8: {  	s29 =	simm.s32 $0x3;
	s30 =	simm.s32 $0x4;
	s31 =	simm.s32 $0x5  }
0x9: {  	[smem:$0x7FF] =	sst s4;
	s6 =	sand.u32 $0x1, s5;
	s5 =	sadd.s32 $0x2000, s0  }
0xa: {  	s7 =	sshll.u32 s7, $0x9;
	s11 =	sadd.s32 $0x25600, s0;
	s8 =	sshll.u32 s6, $0x8  }
0xb: {  	s12 =	sadd.s32 $0x65600, s0;
	s6 =	ssub.s32 $0x2, s6;
	s10 =	sor.u32 s8, s7  }
0xc: {  	_ =	strace $0x8000004A;
	s22 =	sshrl.u32 s6, $0x1;
	s13 =	sshrl.u32 s10, $0x3  }
0xd: {  	s20 =	sor.u32 $0x2000, s10;
	s6 =	ssub.s32 s6, s22;
	s24 =	sshll.u32 s10, $0x5  }
0xe: {  	s26 =	sshll.u32 s10, $0x4;
	s22 =	simm.s32 $0x8300;
	s0 =	sadd.s32 s13, s0  }
0xf: {  	s23 =	sshrl.u32 s20, $0x3;
	s9 =	sadd.s32 s11, s24;
	s25 =	sor.u32 $0x10, s13  }
0x10: {  	s10 =	sadd.s32 s12, s26;
	s24 =	simm.s32 $0xF300;
	s26 =	simm.s32 $0x14300  }
0x11: {  	v0 =	vlaneseq.u32;
	s7 =	sadd.s32 s3, s23;
	s8 =	sadd.s32 $0x85600, s0;
	s13 =	sshll.u32 s25, $0x8  }
0x12: {  	vm0 =	vmmov $0xffff;
	v2 =	vshrl.u32 v0, $0x3;
	s0 =	sshll.u32 s25, $0x7;
	s25 =	simm.s32 $0xFB00;
	s11 =	sadd.s32 s11, s13  }
0x13: {  	v1 =	vand.u32 $0x7, v0;
	v3 =	vor.u32 $0x8, v0;
	v2 =	vmul.u32 $0x8, v2;
	s12 =	sadd.s32 s12, s0;
	s13 =	smax.u32 s6, $0x1;
	s0 =	simm.s32 $0x0  }
.LBB2_1:
0x14: {  	[tilespmem:s4], [sflag:$0x6] =	stream.linear.gather [hbm4b:s7+s4], $0x100, $0x38;
	[tilespmem:$0x18300] =	vst v63  }
0x15: {  	_ =	swait.ge [sflag:s14], $0x100  }
0x16: {  	[sflag:s14] =	ssyncset.done $0x0  }
0x17: {  	[sflag:s14] =	ssyncadd.s32 $0xFFFFFF00  }
0x18: {  	[tilespmem:s16], [sflag:$0x1] =	stream.indirect.gather [hbm4b:s5+s15], $0x1, s4, s15, $0xb8;
	[tilespmem:$0x18300] =	vst v63  }
0x19: {  	s3 =	simm.s32 $0x180  }
0x1a: {  	[tilespmem:s3], [sflag:$0x1] =	stream.indirect.gather [hbm4b:s5+s15], $0x1, s15, s15, $0xb8;
	[tilespmem:$0x18300] =	vst v63  }
0x1b: {  	_ =	swait.ge [sflag:s18], $0x80  }
0x1c: {  	[sflag:s18] =	ssyncset.done $0x0  }
0x1d: {  	[sflag:s18] =	ssyncadd.s32 $0xFFFFFF80  }
0x1e: {  	_ =	swait.ge [sflag:s18], $0x80  }
0x1f: {  	[sflag:s18] =	ssyncset.done $0x0  }
0x20: {  	s3 =	simm.s32 $0x0;
	[sflag:s18] =	ssyncadd.s32 $0xFFFFFF80  }
0x21: {  	v4 =	vld [tilespmem:s3+$0x100];
	_ =	sdelay $0x3  }
0x22: {  	s17 =	simm.s32 $0x40;
	s6 =	smov.u32 s20  }
.LBB2_2:
0x23: {  	s23 =	sshra.s32 s17, $0x2;
	p0 =	sne.s32 s17, $0x3C0;
	s17 =	sadd.s32 $0x40, s17;
	v5 =	vor.u32 s6, v0;
	vm1 =	vlt.s32 v4, $0x0  }
.Ltmp0:
0x24: {  	v5 =	vsel vm1, v5, v4;
	v4 =	vld [tilespmem:s23+$0x100];
	(pc) =	sbr.rel @p0 .LBB2_2-.Ltmp0, $2  }
0x25: {  	[tilespmem:s3+$0x200] =	vst v5;
	s3 =	smov.u32 s23;
	_ =	sdelay $0x2  }
0x26: {  	s6 =	sadd.s32 $0x10, s6  }
0x27: {  	v5 =	vor.u32 s6, v0;
	vm1 =	vlt.s32 v4, $0x0  }
0x28: {  	v4 =	vsel vm1, v5, v4  }
0x29: {  	[tilespmem:s3+$0x200] =	vst v4  }
0x2a: {  	[hbm4b:s8+s4] =	stream.linear.scatter [tilespmem:s16], [sflag:$0x1], $0x100, $0x38;
	[tilespmem:$0x18300] =	vst v63  }
0x2b: {  	v4 =	vld [tilespmem:$0x200];
	_ =	sdelay $0x4  }
0x2c: {  	v5 =	vshll.u32 v4, $0x1  }
0x2d: {  	v4 =	vand.u32 $0x7, v4;
	v5 =	vand.u32 $0xFFFFFFF0, v5  }
0x2e: {  	v4 =	vor.u32 v4, v5  }
0x2f: {  	v5 =	vperm.xlane v4, v1;
	_ =	sdelay $0x1  }
0x30: {  	v4 =	vperm.xlane v4, v3;
	v5 =	vadd.s32 v2, v5;
	_ =	sdelay $0x1  }
0x31: {  	v4 =	vadd.s32 v2, v4;
	_ =	sdelay $0x2  }
0x32: {  	[tilespmem:s19], [sflag:$0x2] =	stream.indirect_vreg.gather [hbm4b:s1+s4], $0x80, v5, vm0, $0xb8;
	[tilespmem:$0x18300] =	vst v63  }
0x33: {  	s23 =	simm.s32 $0xB00  }
0x34: {  	[tilespmem:s23], [sflag:$0x2] =	stream.indirect_vreg.gather [hbm4b:s1+s4], $0x80, v4, vm0, $0xb8;
	[tilespmem:$0x18300] =	vst v63  }
0x35: {  	v4 =	vld [tilespmem:$0x210];
	_ =	sdelay $0x4  }
0x36: {  	v5 =	vshll.u32 v4, $0x1  }
0x37: {  	v4 =	vand.u32 $0x7, v4;
	v5 =	vand.u32 $0xFFFFFFF0, v5  }
0x38: {  	v4 =	vor.u32 v4, v5  }
0x39: {  	v5 =	vperm.xlane v4, v1;
	_ =	sdelay $0x1  }
0x3a: {  	v4 =	vperm.xlane v4, v3;
	v5 =	vadd.s32 v2, v5;
	_ =	sdelay $0x1  }
0x3b: {  	v4 =	vadd.s32 v2, v4;
	_ =	sdelay $0x1  }
0x3c: {  	s6 =	simm.s32 $0x1300  }
0x3d: {  	[tilespmem:s6], [sflag:$0x2] =	stream.indirect_vreg.gather [hbm4b:s1+s4], $0x80, v5, vm0, $0xb8;
	[tilespmem:$0x18300] =	vst v63  }
0x3e: {  	s17 =	simm.s32 $0x1B00  }
0x3f: {  	[tilespmem:s17], [sflag:$0x2] =	stream.indirect_vreg.gather [hbm4b:s1+s4], $0x80, v4, vm0, $0xb8;
	[tilespmem:$0x18300] =	vst v63  }
0x40: {  	v4 =	vld [tilespmem:$0x220];
	_ =	sdelay $0x4  }
0x41: {  	v5 =	vshll.u32 v4, $0x1  }
0x42: {  	v4 =	vand.u32 $0x7, v4;
	v5 =	vand.u32 $0xFFFFFFF0, v5  }
0x43: {  	v4 =	vor.u32 v4, v5  }
0x44: {  	v5 =	vperm.xlane v4, v1;
	_ =	sdelay $0x1  }
0x45: {  	v4 =	vperm.xlane v4, v3;
	v5 =	vadd.s32 v2, v5;
	_ =	sdelay $0x1  }
0x46: {  	v4 =	vadd.s32 v2, v4;
	_ =	sdelay $0x1  }
0x47: {  	s23 =	simm.s32 $0x2300  }
0x48: {  	[tilespmem:s23], [sflag:$0x2] =	stream.indirect_vreg.gather [hbm4b:s1+s4], $0x80, v5, vm0, $0xb8;
	[tilespmem:$0x18300] =	vst v63  }
0x49: {  	s6 =	simm.s32 $0x2B00  }
0x4a: {  	[tilespmem:s6], [sflag:$0x2] =	stream.indirect_vreg.gather [hbm4b:s1+s4], $0x80, v4, vm0, $0xb8;
	[tilespmem:$0x18300] =	vst v63  }
0x4b: {  	v4 =	vld [tilespmem:$0x230];
	_ =	sdelay $0x4  }
0x4c: {  	v5 =	vshll.u32 v4, $0x1  }
0x4d: {  	v4 =	vand.u32 $0x7, v4;
	v5 =	vand.u32 $0xFFFFFFF0, v5  }
0x4e: {  	v4 =	vor.u32 v4, v5  }
0x4f: {  	v5 =	vperm.xlane v4, v1;
	_ =	sdelay $0x1  }
0x50: {  	v4 =	vperm.xlane v4, v3;
	v5 =	vadd.s32 v2, v5;
	_ =	sdelay $0x1  }
0x51: {  	v4 =	vadd.s32 v2, v4;
	_ =	sdelay $0x1  }
0x52: {  	s17 =	simm.s32 $0x3300  }
0x53: {  	[tilespmem:s17], [sflag:$0x2] =	stream.indirect_vreg.gather [hbm4b:s1+s4], $0x80, v5, vm0, $0xb8;
	[tilespmem:$0x18300] =	vst v63  }
0x54: {  	s23 =	simm.s32 $0x3B00  }
0x55: {  	[tilespmem:s23], [sflag:$0x2] =	stream.indirect_vreg.gather [hbm4b:s1+s4], $0x80, v4, vm0, $0xb8;
	[tilespmem:$0x18300] =	vst v63  }
0x56: {  	v4 =	vld [tilespmem:$0x240];
	_ =	sdelay $0x4  }
0x57: {  	v5 =	vshll.u32 v4, $0x1  }
0x58: {  	v4 =	vand.u32 $0x7, v4;
	v5 =	vand.u32 $0xFFFFFFF0, v5  }
0x59: {  	v4 =	vor.u32 v4, v5  }
0x5a: {  	v5 =	vperm.xlane v4, v1;
	_ =	sdelay $0x1  }
0x5b: {  	v4 =	vperm.xlane v4, v3;
	v5 =	vadd.s32 v2, v5;
	_ =	sdelay $0x1  }
0x5c: {  	v4 =	vadd.s32 v2, v4;
	_ =	sdelay $0x1  }
0x5d: {  	s6 =	simm.s32 $0x4300  }
0x5e: {  	[tilespmem:s6], [sflag:$0x2] =	stream.indirect_vreg.gather [hbm4b:s1+s4], $0x80, v5, vm0, $0xb8;
	[tilespmem:$0x18300] =	vst v63  }
0x5f: {  	s17 =	simm.s32 $0x4B00  }
0x60: {  	[tilespmem:s17], [sflag:$0x2] =	stream.indirect_vreg.gather [hbm4b:s1+s4], $0x80, v4, vm0, $0xb8;
	[tilespmem:$0x18300] =	vst v63  }
0x61: {  	v4 =	vld [tilespmem:$0x250];
	_ =	sdelay $0x4  }
0x62: {  	v5 =	vshll.u32 v4, $0x1  }
0x63: {  	v4 =	vand.u32 $0x7, v4;
	v5 =	vand.u32 $0xFFFFFFF0, v5  }
0x64: {  	v4 =	vor.u32 v4, v5  }
0x65: {  	v5 =	vperm.xlane v4, v1;
	_ =	sdelay $0x1  }
0x66: {  	v4 =	vperm.xlane v4, v3;
	v5 =	vadd.s32 v2, v5;
	_ =	sdelay $0x1  }
0x67: {  	v4 =	vadd.s32 v2, v4;
	_ =	sdelay $0x1  }
0x68: {  	s23 =	simm.s32 $0x5300  }
0x69: {  	[tilespmem:s23], [sflag:$0x2] =	stream.indirect_vreg.gather [hbm4b:s1+s4], $0x80, v5, vm0, $0xb8;
	[tilespmem:$0x18300] =	vst v63  }
0x6a: {  	s6 =	simm.s32 $0x5B00  }
0x6b: {  	[tilespmem:s6], [sflag:$0x2] =	stream.indirect_vreg.gather [hbm4b:s1+s4], $0x80, v4, vm0, $0xb8;
	[tilespmem:$0x18300] =	vst v63  }
0x6c: {  	v4 =	vld [tilespmem:$0x260];
	_ =	sdelay $0x4  }
0x6d: {  	v5 =	vshll.u32 v4, $0x1  }
0x6e: {  	v4 =	vand.u32 $0x7, v4;
	v5 =	vand.u32 $0xFFFFFFF0, v5  }
0x6f: {  	v4 =	vor.u32 v4, v5  }
0x70: {  	v5 =	vperm.xlane v4, v1;
	_ =	sdelay $0x1  }
0x71: {  	v4 =	vperm.xlane v4, v3;
	v5 =	vadd.s32 v2, v5;
	_ =	sdelay $0x1  }
0x72: {  	v4 =	vadd.s32 v2, v4;
	_ =	sdelay $0x1  }
0x73: {  	s17 =	simm.s32 $0x6300  }
0x74: {  	[tilespmem:s17], [sflag:$0x2] =	stream.indirect_vreg.gather [hbm4b:s1+s4], $0x80, v5, vm0, $0xb8;
	[tilespmem:$0x18300] =	vst v63  }
0x75: {  	s23 =	simm.s32 $0x6B00  }
0x76: {  	[tilespmem:s23], [sflag:$0x2] =	stream.indirect_vreg.gather [hbm4b:s1+s4], $0x80, v4, vm0, $0xb8;
	[tilespmem:$0x18300] =	vst v63  }
0x77: {  	v4 =	vld [tilespmem:$0x270];
	_ =	sdelay $0x4  }
0x78: {  	v5 =	vshll.u32 v4, $0x1  }
0x79: {  	v4 =	vand.u32 $0x7, v4;
	v5 =	vand.u32 $0xFFFFFFF0, v5  }
0x7a: {  	v4 =	vor.u32 v4, v5  }
0x7b: {  	v5 =	vperm.xlane v4, v1;
	_ =	sdelay $0x1  }
0x7c: {  	v4 =	vperm.xlane v4, v3;
	v5 =	vadd.s32 v2, v5;
	_ =	sdelay $0x1  }
0x7d: {  	v4 =	vadd.s32 v2, v4;
	_ =	sdelay $0x1  }
0x7e: {  	s6 =	simm.s32 $0x7300  }
0x7f: {  	[tilespmem:s6], [sflag:$0x2] =	stream.indirect_vreg.gather [hbm4b:s1+s4], $0x80, v5, vm0, $0xb8;
	[tilespmem:$0x18300] =	vst v63  }
0x80: {  	s17 =	simm.s32 $0x7B00  }
0x81: {  	[tilespmem:s17], [sflag:$0x2] =	stream.indirect_vreg.gather [hbm4b:s1+s4], $0x80, v4, vm0, $0xb8;
	[tilespmem:$0x18300] =	vst v63  }
0x82: {  	_ = 	snop  }
0x83: {  	[tilespmem:s21], [sflag:$0x3] =	stream.indirect.gather [hbm4b:s2+s15], $0x80, s4, s15, $0xb8;
	[tilespmem:$0x18300] =	vst v63  }
0x84: {  	v4 =	vld [tilespmem:$0x280];
	_ =	sdelay $0x4  }
0x85: {  	v5 =	vshll.u32 v4, $0x1  }
0x86: {  	v4 =	vand.u32 $0x7, v4;
	v5 =	vand.u32 $0xFFFFFFF0, v5  }
0x87: {  	v4 =	vor.u32 v4, v5  }
0x88: {  	v5 =	vperm.xlane v4, v1;
	_ =	sdelay $0x1  }
0x89: {  	v4 =	vperm.xlane v4, v3;
	v5 =	vadd.s32 v2, v5;
	_ =	sdelay $0x1  }
0x8a: {  	v4 =	vadd.s32 v2, v4;
	_ =	sdelay $0x2  }
0x8b: {  	[tilespmem:s22], [sflag:$0x2] =	stream.indirect_vreg.gather [hbm4b:s1+s4], $0x80, v5, vm0, $0xb8;
	[tilespmem:$0x18300] =	vst v63  }
0x8c: {  	s23 =	simm.s32 $0x8B00  }
0x8d: {  	[tilespmem:s23], [sflag:$0x2] =	stream.indirect_vreg.gather [hbm4b:s1+s4], $0x80, v4, vm0, $0xb8;
	[tilespmem:$0x18300] =	vst v63  }
0x8e: {  	v4 =	vld [tilespmem:$0x290];
	_ =	sdelay $0x4  }
0x8f: {  	v5 =	vshll.u32 v4, $0x1  }
0x90: {  	v4 =	vand.u32 $0x7, v4;
	v5 =	vand.u32 $0xFFFFFFF0, v5  }
0x91: {  	v4 =	vor.u32 v4, v5  }
0x92: {  	v5 =	vperm.xlane v4, v1;
	_ =	sdelay $0x1  }
0x93: {  	v4 =	vperm.xlane v4, v3;
	v5 =	vadd.s32 v2, v5;
	_ =	sdelay $0x1  }
0x94: {  	v4 =	vadd.s32 v2, v4;
	_ =	sdelay $0x1  }
0x95: {  	s6 =	simm.s32 $0x9300  }
0x96: {  	[tilespmem:s6], [sflag:$0x2] =	stream.indirect_vreg.gather [hbm4b:s1+s4], $0x80, v5, vm0, $0xb8;
	[tilespmem:$0x18300] =	vst v63  }
0x97: {  	s17 =	simm.s32 $0x9B00  }
0x98: {  	[tilespmem:s17], [sflag:$0x2] =	stream.indirect_vreg.gather [hbm4b:s1+s4], $0x80, v4, vm0, $0xb8;
	[tilespmem:$0x18300] =	vst v63  }
0x99: {  	v4 =	vld [tilespmem:$0x2A0];
	_ =	sdelay $0x4  }
0x9a: {  	v5 =	vshll.u32 v4, $0x1  }
0x9b: {  	v4 =	vand.u32 $0x7, v4;
	v5 =	vand.u32 $0xFFFFFFF0, v5  }
0x9c: {  	v4 =	vor.u32 v4, v5  }
0x9d: {  	v5 =	vperm.xlane v4, v1;
	_ =	sdelay $0x1  }
0x9e: {  	v4 =	vperm.xlane v4, v3;
	v5 =	vadd.s32 v2, v5;
	_ =	sdelay $0x1  }
0x9f: {  	v4 =	vadd.s32 v2, v4;
	_ =	sdelay $0x1  }
0xa0: {  	s23 =	simm.s32 $0xA300  }
0xa1: {  	[tilespmem:s23], [sflag:$0x2] =	stream.indirect_vreg.gather [hbm4b:s1+s4], $0x80, v5, vm0, $0xb8;
	[tilespmem:$0x18300] =	vst v63  }
0xa2: {  	s6 =	simm.s32 $0xAB00  }
0xa3: {  	[tilespmem:s6], [sflag:$0x2] =	stream.indirect_vreg.gather [hbm4b:s1+s4], $0x80, v4, vm0, $0xb8;
	[tilespmem:$0x18300] =	vst v63  }
0xa4: {  	v4 =	vld [tilespmem:$0x2B0];
	_ =	sdelay $0x4  }
0xa5: {  	v5 =	vshll.u32 v4, $0x1  }
0xa6: {  	v4 =	vand.u32 $0x7, v4;
	v5 =	vand.u32 $0xFFFFFFF0, v5  }
0xa7: {  	v4 =	vor.u32 v4, v5  }
0xa8: {  	v5 =	vperm.xlane v4, v1;
	_ =	sdelay $0x1  }
0xa9: {  	v4 =	vperm.xlane v4, v3;
	v5 =	vadd.s32 v2, v5;
	_ =	sdelay $0x1  }
0xaa: {  	v4 =	vadd.s32 v2, v4;
	_ =	sdelay $0x1  }
0xab: {  	s17 =	simm.s32 $0xB300  }
0xac: {  	[tilespmem:s17], [sflag:$0x2] =	stream.indirect_vreg.gather [hbm4b:s1+s4], $0x80, v5, vm0, $0xb8;
	[tilespmem:$0x18300] =	vst v63  }
0xad: {  	s23 =	simm.s32 $0xBB00  }
0xae: {  	[tilespmem:s23], [sflag:$0x2] =	stream.indirect_vreg.gather [hbm4b:s1+s4], $0x80, v4, vm0, $0xb8;
	[tilespmem:$0x18300] =	vst v63  }
0xaf: {  	v4 =	vld [tilespmem:$0x2C0];
	_ =	sdelay $0x4  }
0xb0: {  	v5 =	vshll.u32 v4, $0x1  }
0xb1: {  	v4 =	vand.u32 $0x7, v4;
	v5 =	vand.u32 $0xFFFFFFF0, v5  }
0xb2: {  	v4 =	vor.u32 v4, v5  }
0xb3: {  	v5 =	vperm.xlane v4, v1;
	_ =	sdelay $0x1  }
0xb4: {  	v4 =	vperm.xlane v4, v3;
	v5 =	vadd.s32 v2, v5;
	_ =	sdelay $0x1  }
0xb5: {  	v4 =	vadd.s32 v2, v4;
	_ =	sdelay $0x1  }
0xb6: {  	s6 =	simm.s32 $0xC300  }
0xb7: {  	[tilespmem:s6], [sflag:$0x2] =	stream.indirect_vreg.gather [hbm4b:s1+s4], $0x80, v5, vm0, $0xb8;
	[tilespmem:$0x18300] =	vst v63  }
0xb8: {  	s17 =	simm.s32 $0xCB00  }
0xb9: {  	[tilespmem:s17], [sflag:$0x2] =	stream.indirect_vreg.gather [hbm4b:s1+s4], $0x80, v4, vm0, $0xb8;
	[tilespmem:$0x18300] =	vst v63  }
0xba: {  	v4 =	vld [tilespmem:$0x2D0];
	_ =	sdelay $0x4  }
0xbb: {  	v5 =	vshll.u32 v4, $0x1  }
0xbc: {  	v4 =	vand.u32 $0x7, v4;
	v5 =	vand.u32 $0xFFFFFFF0, v5  }
0xbd: {  	v4 =	vor.u32 v4, v5  }
0xbe: {  	v5 =	vperm.xlane v4, v1;
	_ =	sdelay $0x1  }
0xbf: {  	v4 =	vperm.xlane v4, v3;
	v5 =	vadd.s32 v2, v5;
	_ =	sdelay $0x1  }
0xc0: {  	v4 =	vadd.s32 v2, v4;
	_ =	sdelay $0x1  }
0xc1: {  	s23 =	simm.s32 $0xD300  }
0xc2: {  	[tilespmem:s23], [sflag:$0x2] =	stream.indirect_vreg.gather [hbm4b:s1+s4], $0x80, v5, vm0, $0xb8;
	[tilespmem:$0x18300] =	vst v63  }
0xc3: {  	s6 =	simm.s32 $0xDB00  }
0xc4: {  	[tilespmem:s6], [sflag:$0x2] =	stream.indirect_vreg.gather [hbm4b:s1+s4], $0x80, v4, vm0, $0xb8;
	[tilespmem:$0x18300] =	vst v63  }
0xc5: {  	v4 =	vld [tilespmem:$0x2E0];
	_ =	sdelay $0x4  }
0xc6: {  	v5 =	vshll.u32 v4, $0x1  }
0xc7: {  	v4 =	vand.u32 $0x7, v4;
	v5 =	vand.u32 $0xFFFFFFF0, v5  }
0xc8: {  	v4 =	vor.u32 v4, v5  }
0xc9: {  	v5 =	vperm.xlane v4, v1;
	_ =	sdelay $0x1  }
0xca: {  	v4 =	vperm.xlane v4, v3;
	v5 =	vadd.s32 v2, v5;
	_ =	sdelay $0x1  }
0xcb: {  	v4 =	vadd.s32 v2, v4;
	_ =	sdelay $0x1  }
0xcc: {  	s17 =	simm.s32 $0xE300  }
0xcd: {  	[tilespmem:s17], [sflag:$0x2] =	stream.indirect_vreg.gather [hbm4b:s1+s4], $0x80, v5, vm0, $0xb8;
	[tilespmem:$0x18300] =	vst v63  }
0xce: {  	s23 =	simm.s32 $0xEB00  }
0xcf: {  	[tilespmem:s23], [sflag:$0x2] =	stream.indirect_vreg.gather [hbm4b:s1+s4], $0x80, v4, vm0, $0xb8;
	[tilespmem:$0x18300] =	vst v63  }
0xd0: {  	v4 =	vld [tilespmem:$0x2F0];
	_ =	sdelay $0x4  }
0xd1: {  	v5 =	vshll.u32 v4, $0x1  }
0xd2: {  	v4 =	vand.u32 $0x7, v4;
	v5 =	vand.u32 $0xFFFFFFF0, v5  }
0xd3: {  	v4 =	vor.u32 v4, v5  }
0xd4: {  	v5 =	vperm.xlane v4, v1;
	_ =	sdelay $0x1  }
0xd5: {  	v4 =	vperm.xlane v4, v3;
	v5 =	vadd.s32 v2, v5;
	_ =	sdelay $0x1  }
0xd6: {  	v4 =	vadd.s32 v2, v4;
	_ =	sdelay $0x2  }
0xd7: {  	[tilespmem:s24], [sflag:$0x2] =	stream.indirect_vreg.gather [hbm4b:s1+s4], $0x80, v5, vm0, $0xb8;
	[tilespmem:$0x18300] =	vst v63  }
0xd8: {  	_ = 	snop  }
0xd9: {  	[tilespmem:s25], [sflag:$0x2] =	stream.indirect_vreg.gather [hbm4b:s1+s4], $0x80, v4, vm0, $0xb8;
	[tilespmem:$0x18300] =	vst v63  }
0xda: {  	_ = 	snop  }
0xdb: {  	[tilespmem:s26], [sflag:$0x3] =	stream.indirect.gather [hbm4b:s2+s15], $0x80, s15, s15, $0xb8;
	[tilespmem:$0x18300] =	vst v63  }
0xdc: {  	_ =	swait.ge [sflag:s28], $0x8000  }
0xdd: {  	[sflag:s28] =	ssyncset.done $0x0  }
0xde: {  	[sflag:s28] =	ssyncadd.s32 $0xFFFF8000  }
0xdf: {  	_ =	swait.ge [sflag:s29], $0x4000  }
0xe0: {  	[sflag:s29] =	ssyncset.done $0x0  }
0xe1: {  	[sflag:s29] =	ssyncadd.s32 $0xFFFFC000  }
0xe2: {  	[hbm4b:s9+s4] =	stream.linear.scatter [tilespmem:s19], [sflag:$0x4], $0x8000, $0x38;
	[tilespmem:$0x18300] =	vst v63  }
0xe3: {  	_ = 	snop  }
0xe4: {  	[hbm4b:s10+s4] =	stream.linear.scatter [tilespmem:s21], [sflag:$0x5], $0x4000, $0x38;
	[tilespmem:$0x18300] =	vst v63  }
0xe5: {  	_ =	swait.ge [sflag:s30], $0x8000  }
0xe6: {  	[sflag:s30] =	ssyncset.done $0x0  }
0xe7: {  	[sflag:s30] =	ssyncadd.s32 $0xFFFF8000  }
0xe8: {  	_ =	swait.ge [sflag:s31], $0x4000  }
0xe9: {  	[sflag:s31] =	ssyncset.done $0x0  }
0xea: {  	[sflag:s31] =	ssyncadd.s32 $0xFFFFC000  }
0xeb: {  	_ =	swait.ge [sflag:s28], $0x8000  }
0xec: {  	[sflag:s28] =	ssyncset.done $0x0  }
0xed: {  	[sflag:s28] =	ssyncadd.s32 $0xFFFF8000  }
0xee: {  	_ =	swait.ge [sflag:s29], $0x4000  }
0xef: {  	[sflag:s29] =	ssyncset.done $0x0  }
0xf0: {  	[sflag:s29] =	ssyncadd.s32 $0xFFFFC000  }
0xf1: {  	[hbm4b:s11+s4] =	stream.linear.scatter [tilespmem:s22], [sflag:$0x4], $0x8000, $0x38;
	[tilespmem:$0x18300] =	vst v63  }
0xf2: {  	_ = 	snop  }
0xf3: {  	[hbm4b:s12+s4] =	stream.linear.scatter [tilespmem:s26], [sflag:$0x5], $0x4000, $0x38;
	[tilespmem:$0x18300] =	vst v63  }
0xf4: {  	_ =	swait.ge [sflag:s30], $0x8000  }
0xf5: {  	[sflag:s30] =	ssyncset.done $0x0  }
0xf6: {  	s0 =	sadd.s32 $0x1, s0;
	[sflag:s30] =	ssyncadd.s32 $0xFFFF8000  }
0xf7: {  	p0 =	sne.s32 s0, s13;
	_ =	swait.ge [sflag:s31], $0x4000  }
.Ltmp1:
0xf8: {  	[sflag:s31] =	ssyncset.done $0x0;
	(pc) =	sbr.rel @p0 .LBB2_1-.Ltmp1, $4  }
0xf9: {  	[sflag:s31] =	ssyncadd.s32 $0xFFFFC000  }
0xfa: {  	_ =	swait.ge [sflag:s18], $0x100  }
0xfb: {  	[sflag:s18] =	ssyncset.done $0x0  }
0xfc: {  	[sflag:s18] =	ssyncadd.s32 $0xFFFFFF00  }
0xfd: {  	_ =	sfence.sel $0x180000  }
0xfe: {  	[bflag:$0x0] =	sbarrier.arrive $0xFFFF  }
0xff: {  	_ =	strace $0x9000004A  }
0x100: {  	s0 =	stileid.u32;
	[bflag:$0x2] =	sbarrier.arrive $0xFFFF  }
0x101: {  	p0 =	sne.s32 s0, $0x0;
	s0 =	rddreg [dreg:$0x4]  }
0x102: {  	s0 =	sadd.s32 @!p0 $0x100000, s0  }
0x103: {  	[sflag:s0] =	ssyncadd.tile.s32 @!p0 $0x1;
	_ =	shalt  }
.Lfunc_end2:
_tile_overlayer_lowered:
.L_overlay_start_2:
0x104: {  	(tag) =	ssettag $0x2  }
0x105: {  	s0 =	rddreg [dreg:$0x0];
	s2 =	stileid.u32  }
0x106: {  	s1 =	rddreg [dreg:$0x1];
	p0 =	sne.s32 s2, $0x0  }
0x107: {  	s3 =	rddreg [dreg:$0x2];
	[bflag:$0x3] =	sbarrier.arrive $0xFFFF;
	s2 =	simm.s32 @!p0 $0x1C06  }
0x108: {  	[timem:s3], [sflag:s2] =	dma.local @!p0 [hbm:s0], s1  }
0x109: {  	s0 =	simm.s32 @!p0 $0x6  }
0x10a: {  	_ =	swait.ge @!p0 [sflag:s0], s1  }
0x10b: {  	s1 =	ssub.s32 @!p0 $0x0, s1;
	[sflag:s0] =	ssyncset.done @!p0 $0x0  }
0x10c: {  	[sflag:s0] =	ssyncadd.s32 @!p0 s1  }
0x10d: {  	[bflag:$0x3] =	sbarrier.arrive $0xFFFF  }
0x10e: {  	_ =	shalt  }

</sc_bundles>
